<compile_context>
chip_gen: v7x
topology: tpu7x:2x2x1
jax: 0.10.2.dev20260603
libtpu: 0.0.44.dev20260713+nightly
codegen_flags: <defaults>
</compile_context>

<pallas_src>
import functools

import jax
import jax.numpy as jnp
from jax import lax
from jax.experimental import pallas as pl
from jax.experimental.pallas import tpu as pltpu
from jax.experimental.pallas import tpu_sc as plsc

VOCAB = 100000
EMB = 128
HID = 1024
B, L = 4, 2048
PAD = 8
PADL = L + 2 * PAD
NW = 32
CH = (B * L) // NW
TL = L


def _sc_gather(ids_flat, table):
    mesh = plsc.VectorSubcoreMesh(core_axis_name="c", subcore_axis_name="s")

    @functools.partial(
        pl.kernel,
        mesh=mesh,
        out_type=jax.ShapeDtypeStruct((B * PADL, EMB), jnp.float32),
        scratch_types=[
            pltpu.VMEM((CH,), jnp.int32),
            pltpu.VMEM((CH, EMB), jnp.float32),
            pltpu.VMEM((PAD, EMB), jnp.float32),
            pltpu.SemaphoreType.DMA,
            pltpu.SemaphoreType.DMA,
        ],
    )
    def gather_kernel(idx_hbm, table_hbm, out_hbm, idx_v, rows_v, zero_v,
                      sem, sem2):
        cid = lax.axis_index("c")
        sid = lax.axis_index("s")
        wid = cid * 16 + sid
        fb = wid * CH
        b = fb // L
        out_row = b * PADL + PAD + (fb - b * L)
        H2 = CH // 2
        pltpu.sync_copy(idx_hbm.at[pl.ds(fb, CH)], idx_v)
        c0 = pltpu.async_copy(table_hbm.at[idx_v.at[pl.ds(0, H2)]],
                              rows_v.at[pl.ds(0, H2)], sem)
        c1 = pltpu.async_copy(table_hbm.at[idx_v.at[pl.ds(H2, H2)]],
                              rows_v.at[pl.ds(H2, H2)], sem2)
        c0.wait()
        pltpu.sync_copy(rows_v.at[pl.ds(0, H2)], out_hbm.at[pl.ds(out_row, H2)])
        c1.wait()
        pltpu.sync_copy(rows_v.at[pl.ds(H2, H2)],
                        out_hbm.at[pl.ds(out_row + H2, H2)])
        z = jnp.zeros((16,), jnp.float32)
        for i in range(PAD):
            for j in range(EMB // 16):
                zero_v[i, pl.ds(j * 16, 16)] = z
        zb = wid // 2
        zrow = zb * PADL + (wid % 2) * (PAD + L)

        @pl.when(wid < 2 * B)
        def _():
            pltpu.sync_copy(zero_v, out_hbm.at[pl.ds(zrow, PAD)])

    return gather_kernel(ids_flat, table)


def _tc_body(epad_ref, w_ref, pos_ref, lnw_ref, c0_ref, out_ref, acc_ref):
    @pl.when(pl.program_id(0) == 0)
    def _():
        acc_ref[...] = pos_ref[...] * lnw_ref[...] + c0_ref[...]

    ec = epad_ref[0, pl.ds(PAD, TL), :].astype(jnp.bfloat16)
    el = epad_ref[0, pl.ds(PAD + 1, TL), :].astype(jnp.bfloat16)
    er = epad_ref[0, pl.ds(PAD - 1, TL), :].astype(jnp.bfloat16)
    tri = jnp.concatenate([el, ec, er], axis=1)
    h = jnp.dot(tri, w_ref[...], preferred_element_type=jnp.float32)
    out_ref[0] = h + acc_ref[...]


def kernel(input_ids, word_embeddings, dense_W, dense_b, pos_emb, type_emb,
           ln_weight, ln_bias):
    ids_flat = input_ids.reshape(-1).astype(jnp.int32)
    epad = _sc_gather(ids_flat, word_embeddings)
    epad = epad.reshape(B, PADL, EMB)

    grid = (B,)
    out = pl.pallas_call(
        _tc_body,
        grid=grid,
        in_specs=[
            pl.BlockSpec((1, PADL, EMB), lambda b: (b, 0, 0)),
            pl.BlockSpec((3 * EMB, HID), lambda b: (0, 0)),
            pl.BlockSpec((TL, HID), lambda b: (0, 0)),
            pl.BlockSpec((1, HID), lambda b: (0, 0)),
            pl.BlockSpec((1, HID), lambda b: (0, 0)),
        ],
        out_specs=pl.BlockSpec((1, TL, HID), lambda b: (b, 0, 0)),
        out_shape=jax.ShapeDtypeStruct((B, L, HID), jnp.float32),
        scratch_shapes=[pltpu.VMEM((TL, HID), jnp.float32)],
    )(
        epad,
        (dense_W * ln_weight[None, :]).astype(jnp.bfloat16),
        pos_emb,
        ln_weight.reshape(1, HID),
        ((dense_b + type_emb[0]) * ln_weight + ln_bias).reshape(1, HID),
    )
    return out

# --- scband reference (transcript-rebuilt; emitter-appended) ---
"""Pipeline reference for scband-tfmobile-bert-embeddings-22058952032420 (READ-ONLY COPY).

The authoritative reference and input builder live on the scoring server;
editing this copy changes nothing except your own understanding.
"""

import jax, jax.numpy as jnp
import numpy as np

VOCAB = 100000
EMB = 128
HID = 1024
B, L = 4, 2048
MAX_POS = 2048
TYPE_VOCAB = 2


def setup_inputs(seed: int = 0) -> dict:
    key = jax.random.key(seed)
    k1, k2, k3, k4, k5, k6 = jax.random.split(key, 6)
    input_ids = jax.random.randint(k1, (B, L), 0, VOCAB)
    word_embeddings = jax.random.normal(k2, (VOCAB, EMB), dtype=jnp.float32) * 0.02
    dense_W = jax.random.normal(k3, (3 * EMB, HID), dtype=jnp.float32) * 0.02
    dense_b = jnp.zeros((HID,), dtype=jnp.float32)
    pos_emb = jax.random.normal(k4, (MAX_POS, HID), dtype=jnp.float32) * 0.02
    type_emb = jax.random.normal(k5, (TYPE_VOCAB, HID), dtype=jnp.float32) * 0.02
    ln_weight = jnp.ones((HID,), dtype=jnp.float32)
    ln_bias = jnp.zeros((HID,), dtype=jnp.float32)
    return {
        "input_ids": input_ids,
        "word_embeddings": word_embeddings,
        "dense_W": dense_W,
        "dense_b": dense_b,
        "pos_emb": pos_emb,
        "type_emb": type_emb,
        "ln_weight": ln_weight,
        "ln_bias": ln_bias,
    }


def reference(input_ids, word_embeddings, dense_W, dense_b, pos_emb, type_emb, ln_weight, ln_bias):
    # word embedding gather
    inputs_embeds = jnp.take(word_embeddings, input_ids, axis=0)  # [B, L, EMB]
    # trigram input: concat shifted-left, center, shifted-right along feature dim
    left = jnp.pad(inputs_embeds[:, 1:], ((0, 0), (0, 1), (0, 0)))
    right = jnp.pad(inputs_embeds[:, :-1], ((0, 0), (1, 0), (0, 0)))
    trigram = jnp.concatenate([left, inputs_embeds, right], axis=2)  # [B, L, 3*EMB]
    # embedding transformation (Dense)
    h = jnp.dot(trigram, dense_W) + dense_b  # [B, L, HID]
    # position embeddings (position_ids = arange(L))
    seq_len = input_ids.shape[1]
    position_ids = jnp.arange(seq_len, dtype=jnp.int32)[None, :]
    position_embeddings = jnp.take(pos_emb, position_ids, axis=0)  # [1, L, HID]
    # token type embeddings (token_type_ids = zeros)
    token_type_ids = jnp.zeros(input_ids.shape, dtype=jnp.int32)
    token_type_embeddings = jnp.take(type_emb, token_type_ids, axis=0)  # [B, L, HID]
    embeddings = h + position_embeddings + token_type_embeddings
    # NoNorm: elementwise scale + bias
    embeddings = embeddings * ln_weight + ln_bias
    # dropout is identity at inference (training=False)
    return embeddings

if __name__ == "__main__":
    import jax
    _d = setup_inputs()
    print(jax.jit(kernel)(*tuple(_d.values())))

</pallas_src>

<mosaic_0001>
#map = affine_map<(d0, d1) -> (0)>
#map1 = affine_map<(d0, d1) -> (0, 0)>
module attributes {stable_mosaic.version = 14 : i64} {
  func.func @gather_kernel(%arg0: i32, %arg1: i32, %arg2: memref<8192xi32, #tpu.memory_space<hbm>>, %arg3: memref<100000x128xf32, #tpu.memory_space<hbm>>, %arg4: memref<8256x128xf32, #tpu.memory_space<hbm>>, %arg5: memref<256xi32, #tpu.memory_space<vmem>>, %arg6: memref<256x128xf32, #tpu.memory_space<vmem>>, %arg7: memref<8x128xf32, #tpu.memory_space<vmem>>, %arg8: memref<!tpu.dma_semaphore, #tpu.memory_space<semaphore_mem>>, %arg9: memref<!tpu.dma_semaphore, #tpu.memory_space<semaphore_mem>>) attributes {dimension_semantics = [#tpu.dimension_semantics<core_parallel>, #tpu.dimension_semantics<subcore_parallel>], iteration_bounds = array<i64: 2, 16>, scalar_prefetch = 0 : i64, scratch_operands = 5 : i64, tpu.core_type = #tpu.core_type<sc_vector_subcore>, window_params = [{transform_indices = #map}, {transform_indices = #map1}, {transform_indices = #map1}]} {
    %mul3A = arith.constant 16 : i32
    %mul3A_0 = arith.muli %arg0, %mul3A : i32
    %add3A = arith.addi %mul3A_0, %arg1 : i32
    %mul3A_1 = arith.constant 256 : i32
    %mul3A_2 = arith.muli %add3A, %mul3A_1 : i32
    %jit3A = arith.constant 2048 : i32
    %div3A = arith.divsi %mul3A_2, %jit3A : i32
    %sign3A = arith.constant 0 : i32
    %sign3A_3 = arith.cmpi sgt, %mul3A_2, %sign3A : i32
    %sign3A_4 = arith.extui %sign3A_3 : i1 to i32
    %sign3A_5 = arith.constant 0 : i32
    %sign3A_6 = arith.cmpi slt, %mul3A_2, %sign3A_5 : i32
    %sign3A_7 = arith.extui %sign3A_6 : i1 to i32
    %sign3A_8 = arith.subi %sign3A_4, %sign3A_7 : i32
    %sign3A_9 = arith.constant 0 : i32
    %sign3A_10 = arith.cmpi sgt, %jit3A, %sign3A_9 : i32
    %sign3A_11 = arith.extui %sign3A_10 : i1 to i32
    %sign3A_12 = arith.constant 0 : i32
    %sign3A_13 = arith.cmpi slt, %jit3A, %sign3A_12 : i32
    %sign3A_14 = arith.extui %sign3A_13 : i1 to i32
    %sign3A_15 = arith.subi %sign3A_11, %sign3A_14 : i32
    %ne3A = arith.cmpi ne, %sign3A_8, %sign3A_15 : i32
    %rem3A = arith.remsi %mul3A_2, %jit3A : i32
    %ne3A_16 = arith.constant 0 : i32
    %ne3A_17 = arith.cmpi ne, %rem3A, %ne3A_16 : i32
    %and3A = arith.andi %ne3A, %ne3A_17 : i1
    %sub3A = arith.constant 1 : i32
    %sub3A_18 = arith.subi %div3A, %sub3A : i32
    %select_n3A = arith.select %and3A, %sub3A_18, %div3A : i32
    %mul3A_19 = arith.constant 2064 : i32
    %mul3A_20 = arith.muli %select_n3A, %mul3A_19 : i32
    %add3A_21 = arith.constant 8 : i32
    %add3A_22 = arith.addi %mul3A_20, %add3A_21 : i32
    %mul3A_23 = arith.constant 2048 : i32
    %mul3A_24 = arith.muli %select_n3A, %mul3A_23 : i32
    %sub3A_25 = arith.subi %mul3A_2, %mul3A_24 : i32
    %add3A_26 = arith.addi %add3A_22, %sub3A_25 : i32
    "tpu.region"() ({
      %run_scoped3A = tpu.sem_alloc : memref<!tpu.dma_semaphore, #tpu.memory_space<semaphore_mem>>
      %dma_start3A_489 = tpu.memref_slice %arg2[%mul3A_2] : memref<8192xi32, #tpu.memory_space<hbm>> -> memref<256xi32, #tpu.memory_space<hbm>>
      %dma_start3A_490 = tpu.memref_slice %arg2[%mul3A_2] : memref<8192xi32, #tpu.memory_space<hbm>> -> memref<256xi32, #tpu.memory_space<hbm>>
      tpu.enqueue_dma source(%dma_start3A_490 : memref<256xi32, #tpu.memory_space<hbm>>) target(%arg5 : memref<256xi32, #tpu.memory_space<vmem>>) target_semaphore(%run_scoped3A : memref<!tpu.dma_semaphore, #tpu.memory_space<semaphore_mem>>)
      %dma_wait3A_491 = tpu.memref_slice %arg2[%mul3A_2] : memref<8192xi32, #tpu.memory_space<hbm>> -> memref<256xi32, #tpu.memory_space<hbm>>
      %dma_wait3A_492 = tpu.memref_slice %arg2[%mul3A_2] : memref<8192xi32, #tpu.memory_space<hbm>> -> memref<256xi32, #tpu.memory_space<hbm>>
      tpu.wait_dma2 semaphore(%run_scoped3A : memref<!tpu.dma_semaphore, #tpu.memory_space<semaphore_mem>>) src(%dma_wait3A_492 : memref<256xi32, #tpu.memory_space<hbm>>) dst(%arg5 : memref<256xi32, #tpu.memory_space<vmem>>)
      tpu.yield
    }) : () -> ()
    %dma_start3A = arith.constant 0 : i32
    %dma_start3A_27 = arith.constant 0 : i32
    %dma_start3A_28 = tpu.memref_slice %arg6[%dma_start3A, %dma_start3A_27] : memref<256x128xf32, #tpu.memory_space<vmem>> -> memref<128x128xf32, #tpu.memory_space<vmem>>
    %dma_start3A_29 = arith.constant 0 : i32
    %dma_start3A_30 = tpu.memref_slice %arg5[%dma_start3A_29] : memref<256xi32, #tpu.memory_space<vmem>> -> memref<128xi32, #tpu.memory_space<vmem>>
    %dma_start3A_31 = arith.constant 0 : i32
    %dma_start3A_32 = arith.constant 0 : i32
    %dma_start3A_33 = tpu.memref_slice %arg3[%dma_start3A_31, %dma_start3A_32] : memref<100000x128xf32, #tpu.memory_space<hbm>> -> memref<100000x128xf32, #tpu.memory_space<hbm>>
    tpu.enqueue_indirect_dma source(%dma_start3A_33 : memref<100000x128xf32, #tpu.memory_space<hbm>>) target(%dma_start3A_28 : memref<128x128xf32, #tpu.memory_space<vmem>>) offsets(%dma_start3A_30 : memref<128xi32, #tpu.memory_space<vmem>>) semaphore(%arg8 : memref<!tpu.dma_semaphore, #tpu.memory_space<semaphore_mem>>)
    %dma_start3A_34 = arith.constant 128 : i32
    %dma_start3A_35 = arith.constant 0 : i32
    %dma_start3A_36 = tpu.memref_slice %arg6[%dma_start3A_34, %dma_start3A_35] : memref<256x128xf32, #tpu.memory_space<vmem>> -> memref<128x128xf32, #tpu.memory_space<vmem>>
    %dma_start3A_37 = arith.constant 128 : i32
    %dma_start3A_38 = tpu.memref_slice %arg5[%dma_start3A_37] : memref<256xi32, #tpu.memory_space<vmem>> -> memref<128xi32, #tpu.memory_space<vmem>>
    %dma_start3A_39 = arith.constant 0 : i32
    %dma_start3A_40 = arith.constant 0 : i32
    %dma_start3A_41 = tpu.memref_slice %arg3[%dma_start3A_39, %dma_start3A_40] : memref<100000x128xf32, #tpu.memory_space<hbm>> -> memref<100000x128xf32, #tpu.memory_space<hbm>>
    tpu.enqueue_indirect_dma source(%dma_start3A_41 : memref<100000x128xf32, #tpu.memory_space<hbm>>) target(%dma_start3A_36 : memref<128x128xf32, #tpu.memory_space<vmem>>) offsets(%dma_start3A_38 : memref<128xi32, #tpu.memory_space<vmem>>) semaphore(%arg9 : memref<!tpu.dma_semaphore, #tpu.memory_space<semaphore_mem>>)
    %dma_wait3A = arith.constant 0 : i32
    %dma_wait3A_42 = arith.constant 0 : i32
    %dma_wait3A_43 = tpu.memref_slice %arg6[%dma_wait3A, %dma_wait3A_42] : memref<256x128xf32, #tpu.memory_space<vmem>> -> memref<128x128xf32, #tpu.memory_space<vmem>>
    %dma_wait3A_44 = arith.constant 0 : i32
    %dma_wait3A_45 = tpu.memref_slice %arg5[%dma_wait3A_44] : memref<256xi32, #tpu.memory_space<vmem>> -> memref<128xi32, #tpu.memory_space<vmem>>
    %dma_wait3A_46 = arith.constant 0 : i32
    %dma_wait3A_47 = arith.constant 0 : i32
    %dma_wait3A_48 = tpu.memref_slice %arg3[%dma_wait3A_46, %dma_wait3A_47] : memref<100000x128xf32, #tpu.memory_space<hbm>> -> memref<100000x128xf32, #tpu.memory_space<hbm>>
    tpu.wait_indirect_dma semaphore(%arg8 : memref<!tpu.dma_semaphore, #tpu.memory_space<semaphore_mem>>) src(%dma_wait3A_48 : memref<100000x128xf32, #tpu.memory_space<hbm>>) dst(%dma_wait3A_43 : memref<128x128xf32, #tpu.memory_space<vmem>>)
    "tpu.region"() ({
      %run_scoped3A = tpu.sem_alloc : memref<!tpu.dma_semaphore, #tpu.memory_space<semaphore_mem>>
      %dma_start3A_489 = arith.constant 0 : i32
      %dma_start3A_490 = arith.constant 0 : i32
      %dma_start3A_491 = tpu.memref_slice %arg6[%dma_start3A_489, %dma_start3A_490] : memref<256x128xf32, #tpu.memory_space<vmem>> -> memref<128x128xf32, #tpu.memory_space<vmem>>
      %dma_start3A_492 = arith.constant 0 : i32
      %dma_start3A_493 = tpu.memref_slice %arg4[%add3A_26, %dma_start3A_492] : memref<8256x128xf32, #tpu.memory_space<hbm>> -> memref<128x128xf32, #tpu.memory_space<hbm>>
      %dma_start3A_494 = arith.constant 0 : i32
      %dma_start3A_495 = tpu.memref_slice %arg4[%add3A_26, %dma_start3A_494] : memref<8256x128xf32, #tpu.memory_space<hbm>> -> memref<128x128xf32, #tpu.memory_space<hbm>>
      %dma_start3A_496 = arith.constant 0 : i32
      %dma_start3A_497 = arith.constant 0 : i32
      %dma_start3A_498 = tpu.memref_slice %arg6[%dma_start3A_496, %dma_start3A_497] : memref<256x128xf32, #tpu.memory_space<vmem>> -> memref<128x128xf32, #tpu.memory_space<vmem>>
      tpu.enqueue_dma source(%dma_start3A_498 : memref<128x128xf32, #tpu.memory_space<vmem>>) target(%dma_start3A_495 : memref<128x128xf32, #tpu.memory_space<hbm>>) target_semaphore(%run_scoped3A : memref<!tpu.dma_semaphore, #tpu.memory_space<semaphore_mem>>)
      %dma_wait3A_499 = arith.constant 0 : i32
      %dma_wait3A_500 = arith.constant 0 : i32
      %dma_wait3A_501 = tpu.memref_slice %arg6[%dma_wait3A_499, %dma_wait3A_500] : memref<256x128xf32, #tpu.memory_space<vmem>> -> memref<128x128xf32, #tpu.memory_space<vmem>>
      %dma_wait3A_502 = arith.constant 0 : i32
      %dma_wait3A_503 = tpu.memref_slice %arg4[%add3A_26, %dma_wait3A_502] : memref<8256x128xf32, #tpu.memory_space<hbm>> -> memref<128x128xf32, #tpu.memory_space<hbm>>
      %dma_wait3A_504 = arith.constant 0 : i32
      %dma_wait3A_505 = tpu.memref_slice %arg4[%add3A_26, %dma_wait3A_504] : memref<8256x128xf32, #tpu.memory_space<hbm>> -> memref<128x128xf32, #tpu.memory_space<hbm>>
      %dma_wait3A_506 = arith.constant 0 : i32
      %dma_wait3A_507 = arith.constant 0 : i32
      %dma_wait3A_508 = tpu.memref_slice %arg6[%dma_wait3A_506, %dma_wait3A_507] : memref<256x128xf32, #tpu.memory_space<vmem>> -> memref<128x128xf32, #tpu.memory_space<vmem>>
      tpu.wait_dma2 semaphore(%run_scoped3A : memref<!tpu.dma_semaphore, #tpu.memory_space<semaphore_mem>>) src(%dma_wait3A_508 : memref<128x128xf32, #tpu.memory_space<vmem>>) dst(%dma_wait3A_505 : memref<128x128xf32, #tpu.memory_space<hbm>>)
      tpu.yield
    }) : () -> ()
    %dma_wait3A_49 = arith.constant 128 : i32
    %dma_wait3A_50 = arith.constant 0 : i32
    %dma_wait3A_51 = tpu.memref_slice %arg6[%dma_wait3A_49, %dma_wait3A_50] : memref<256x128xf32, #tpu.memory_space<vmem>> -> memref<128x128xf32, #tpu.memory_space<vmem>>
    %dma_wait3A_52 = arith.constant 128 : i32
    %dma_wait3A_53 = tpu.memref_slice %arg5[%dma_wait3A_52] : memref<256xi32, #tpu.memory_space<vmem>> -> memref<128xi32, #tpu.memory_space<vmem>>
    %dma_wait3A_54 = arith.constant 0 : i32
    %dma_wait3A_55 = arith.constant 0 : i32
    %dma_wait3A_56 = tpu.memref_slice %arg3[%dma_wait3A_54, %dma_wait3A_55] : memref<100000x128xf32, #tpu.memory_space<hbm>> -> memref<100000x128xf32, #tpu.memory_space<hbm>>
    tpu.wait_indirect_dma semaphore(%arg9 : memref<!tpu.dma_semaphore, #tpu.memory_space<semaphore_mem>>) src(%dma_wait3A_56 : memref<100000x128xf32, #tpu.memory_space<hbm>>) dst(%dma_wait3A_51 : memref<128x128xf32, #tpu.memory_space<vmem>>)
    %add3A_57 = arith.constant 128 : i32
    %add3A_58 = arith.addi %add3A_26, %add3A_57 : i32
    "tpu.region"() ({
      %run_scoped3A = tpu.sem_alloc : memref<!tpu.dma_semaphore, #tpu.memory_space<semaphore_mem>>
      %dma_start3A_489 = arith.constant 128 : i32
      %dma_start3A_490 = arith.constant 0 : i32
      %dma_start3A_491 = tpu.memref_slice %arg6[%dma_start3A_489, %dma_start3A_490] : memref<256x128xf32, #tpu.memory_space<vmem>> -> memref<128x128xf32, #tpu.memory_space<vmem>>
      %dma_start3A_492 = arith.constant 0 : i32
      %dma_start3A_493 = tpu.memref_slice %arg4[%add3A_58, %dma_start3A_492] : memref<8256x128xf32, #tpu.memory_space<hbm>> -> memref<128x128xf32, #tpu.memory_space<hbm>>
      %dma_start3A_494 = arith.constant 0 : i32
      %dma_start3A_495 = tpu.memref_slice %arg4[%add3A_58, %dma_start3A_494] : memref<8256x128xf32, #tpu.memory_space<hbm>> -> memref<128x128xf32, #tpu.memory_space<hbm>>
      %dma_start3A_496 = arith.constant 128 : i32
      %dma_start3A_497 = arith.constant 0 : i32
      %dma_start3A_498 = tpu.memref_slice %arg6[%dma_start3A_496, %dma_start3A_497] : memref<256x128xf32, #tpu.memory_space<vmem>> -> memref<128x128xf32, #tpu.memory_space<vmem>>
      tpu.enqueue_dma source(%dma_start3A_498 : memref<128x128xf32, #tpu.memory_space<vmem>>) target(%dma_start3A_495 : memref<128x128xf32, #tpu.memory_space<hbm>>) target_semaphore(%run_scoped3A : memref<!tpu.dma_semaphore, #tpu.memory_space<semaphore_mem>>)
      %dma_wait3A_499 = arith.constant 128 : i32
      %dma_wait3A_500 = arith.constant 0 : i32
      %dma_wait3A_501 = tpu.memref_slice %arg6[%dma_wait3A_499, %dma_wait3A_500] : memref<256x128xf32, #tpu.memory_space<vmem>> -> memref<128x128xf32, #tpu.memory_space<vmem>>
      %dma_wait3A_502 = arith.constant 0 : i32
      %dma_wait3A_503 = tpu.memref_slice %arg4[%add3A_58, %dma_wait3A_502] : memref<8256x128xf32, #tpu.memory_space<hbm>> -> memref<128x128xf32, #tpu.memory_space<hbm>>
      %dma_wait3A_504 = arith.constant 0 : i32
      %dma_wait3A_505 = tpu.memref_slice %arg4[%add3A_58, %dma_wait3A_504] : memref<8256x128xf32, #tpu.memory_space<hbm>> -> memref<128x128xf32, #tpu.memory_space<hbm>>
      %dma_wait3A_506 = arith.constant 128 : i32
      %dma_wait3A_507 = arith.constant 0 : i32
      %dma_wait3A_508 = tpu.memref_slice %arg6[%dma_wait3A_506, %dma_wait3A_507] : memref<256x128xf32, #tpu.memory_space<vmem>> -> memref<128x128xf32, #tpu.memory_space<vmem>>
      tpu.wait_dma2 semaphore(%run_scoped3A : memref<!tpu.dma_semaphore, #tpu.memory_space<semaphore_mem>>) src(%dma_wait3A_508 : memref<128x128xf32, #tpu.memory_space<vmem>>) dst(%dma_wait3A_505 : memref<128x128xf32, #tpu.memory_space<hbm>>)
      tpu.yield
    }) : () -> ()
    %broadcast_in_dim3A = arith.constant 0.000000e+00 : f32
    %broadcast_in_dim3A_59 = vector.broadcast %broadcast_in_dim3A : f32 to vector<16xf32>
    %swap3A = arith.constant 0 : i32
    %swap3A_60 = arith.index_cast %swap3A : i32 to index
    %swap3A_61 = arith.constant 0 : index
    %swap3A_62 = tpu.vector_load %arg7[%swap3A_60, %swap3A_61] {strides = array<i32>} : memref<8x128xf32, #tpu.memory_space<vmem>>, vector<1x16xf32>,
    %swap3A_63 = vector.shape_cast %swap3A_62 : vector<1x16xf32> to vector<16xf32>
    %swap3A_64 = vector.shape_cast %broadcast_in_dim3A_59 : vector<16xf32> to vector<1x16xf32>
    tpu.vector_store %arg7[%swap3A_60, %swap3A_61], %swap3A_64 {strides = array<i32>} : memref<8x128xf32, #tpu.memory_space<vmem>>, vector<1x16xf32>,
    %swap3A_65 = arith.constant 0 : i32
    %swap3A_66 = arith.index_cast %swap3A_65 : i32 to index
    %swap3A_67 = arith.constant 16 : index
    %swap3A_68 = tpu.vector_load %arg7[%swap3A_66, %swap3A_67] {strides = array<i32>} : memref<8x128xf32, #tpu.memory_space<vmem>>, vector<1x16xf32>,
    %swap3A_69 = vector.shape_cast %swap3A_68 : vector<1x16xf32> to vector<16xf32>
    %swap3A_70 = vector.shape_cast %broadcast_in_dim3A_59 : vector<16xf32> to vector<1x16xf32>
    tpu.vector_store %arg7[%swap3A_66, %swap3A_67], %swap3A_70 {strides = array<i32>} : memref<8x128xf32, #tpu.memory_space<vmem>>, vector<1x16xf32>,
    %swap3A_71 = arith.constant 0 : i32
    %swap3A_72 = arith.index_cast %swap3A_71 : i32 to index
    %swap3A_73 = arith.constant 32 : index
    %swap3A_74 = tpu.vector_load %arg7[%swap3A_72, %swap3A_73] {strides = array<i32>} : memref<8x128xf32, #tpu.memory_space<vmem>>, vector<1x16xf32>,
    %swap3A_75 = vector.shape_cast %swap3A_74 : vector<1x16xf32> to vector<16xf32>
    %swap3A_76 = vector.shape_cast %broadcast_in_dim3A_59 : vector<16xf32> to vector<1x16xf32>
    tpu.vector_store %arg7[%swap3A_72, %swap3A_73], %swap3A_76 {strides = array<i32>} : memref<8x128xf32, #tpu.memory_space<vmem>>, vector<1x16xf32>,
    %swap3A_77 = arith.constant 0 : i32
    %swap3A_78 = arith.index_cast %swap3A_77 : i32 to index
    %swap3A_79 = arith.constant 48 : index
    %swap3A_80 = tpu.vector_load %arg7[%swap3A_78, %swap3A_79] {strides = array<i32>} : memref<8x128xf32, #tpu.memory_space<vmem>>, vector<1x16xf32>,
    %swap3A_81 = vector.shape_cast %swap3A_80 : vector<1x16xf32> to vector<16xf32>
    %swap3A_82 = vector.shape_cast %broadcast_in_dim3A_59 : vector<16xf32> to vector<1x16xf32>
    tpu.vector_store %arg7[%swap3A_78, %swap3A_79], %swap3A_82 {strides = array<i32>} : memref<8x128xf32, #tpu.memory_space<vmem>>, vector<1x16xf32>,
    %swap3A_83 = arith.constant 0 : i32
    %swap3A_84 = arith.index_cast %swap3A_83 : i32 to index
    %swap3A_85 = arith.constant 64 : index
    %swap3A_86 = tpu.vector_load %arg7[%swap3A_84, %swap3A_85] {strides = array<i32>} : memref<8x128xf32, #tpu.memory_space<vmem>>, vector<1x16xf32>,
    %swap3A_87 = vector.shape_cast %swap3A_86 : vector<1x16xf32> to vector<16xf32>
    %swap3A_88 = vector.shape_cast %broadcast_in_dim3A_59 : vector<16xf32> to vector<1x16xf32>
    tpu.vector_store %arg7[%swap3A_84, %swap3A_85], %swap3A_88 {strides = array<i32>} : memref<8x128xf32, #tpu.memory_space<vmem>>, vector<1x16xf32>,
    %swap3A_89 = arith.constant 0 : i32
    %swap3A_90 = arith.index_cast %swap3A_89 : i32 to index
    %swap3A_91 = arith.constant 80 : index
    %swap3A_92 = tpu.vector_load %arg7[%swap3A_90, %swap3A_91] {strides = array<i32>} : memref<8x128xf32, #tpu.memory_space<vmem>>, vector<1x16xf32>,
    %swap3A_93 = vector.shape_cast %swap3A_92 : vector<1x16xf32> to vector<16xf32>
    %swap3A_94 = vector.shape_cast %broadcast_in_dim3A_59 : vector<16xf32> to vector<1x16xf32>
    tpu.vector_store %arg7[%swap3A_90, %swap3A_91], %swap3A_94 {strides = array<i32>} : memref<8x128xf32, #tpu.memory_space<vmem>>, vector<1x16xf32>,
    %swap3A_95 = arith.constant 0 : i32
    %swap3A_96 = arith.index_cast %swap3A_95 : i32 to index
    %swap3A_97 = arith.constant 96 : index
    %swap3A_98 = tpu.vector_load %arg7[%swap3A_96, %swap3A_97] {strides = array<i32>} : memref<8x128xf32, #tpu.memory_space<vmem>>, vector<1x16xf32>,
    %swap3A_99 = vector.shape_cast %swap3A_98 : vector<1x16xf32> to vector<16xf32>
    %swap3A_100 = vector.shape_cast %broadcast_in_dim3A_59 : vector<16xf32> to vector<1x16xf32>
    tpu.vector_store %arg7[%swap3A_96, %swap3A_97], %swap3A_100 {strides = array<i32>} : memref<8x128xf32, #tpu.memory_space<vmem>>, vector<1x16xf32>,
    %swap3A_101 = arith.constant 0 : i32
    %swap3A_102 = arith.index_cast %swap3A_101 : i32 to index
    %swap3A_103 = arith.constant 112 : index
    %swap3A_104 = tpu.vector_load %arg7[%swap3A_102, %swap3A_103] {strides = array<i32>} : memref<8x128xf32, #tpu.memory_space<vmem>>, vector<1x16xf32>,
    %swap3A_105 = vector.shape_cast %swap3A_104 : vector<1x16xf32> to vector<16xf32>
    %swap3A_106 = vector.shape_cast %broadcast_in_dim3A_59 : vector<16xf32> to vector<1x16xf32>
    tpu.vector_store %arg7[%swap3A_102, %swap3A_103], %swap3A_106 {strides = array<i32>} : memref<8x128xf32, #tpu.memory_space<vmem>>, vector<1x16xf32>,
    %swap3A_107 = arith.constant 1 : i32
    %swap3A_108 = arith.index_cast %swap3A_107 : i32 to index
    %swap3A_109 = arith.constant 0 : index
    %swap3A_110 = tpu.vector_load %arg7[%swap3A_108, %swap3A_109] {strides = array<i32>} : memref<8x128xf32, #tpu.memory_space<vmem>>, vector<1x16xf32>,
    %swap3A_111 = vector.shape_cast %swap3A_110 : vector<1x16xf32> to vector<16xf32>
    %swap3A_112 = vector.shape_cast %broadcast_in_dim3A_59 : vector<16xf32> to vector<1x16xf32>
    tpu.vector_store %arg7[%swap3A_108, %swap3A_109], %swap3A_112 {strides = array<i32>} : memref<8x128xf32, #tpu.memory_space<vmem>>, vector<1x16xf32>,
    %swap3A_113 = arith.constant 1 : i32
    %swap3A_114 = arith.index_cast %swap3A_113 : i32 to index
    %swap3A_115 = arith.constant 16 : index
    %swap3A_116 = tpu.vector_load %arg7[%swap3A_114, %swap3A_115] {strides = array<i32>} : memref<8x128xf32, #tpu.memory_space<vmem>>, vector<1x16xf32>,
    %swap3A_117 = vector.shape_cast %swap3A_116 : vector<1x16xf32> to vector<16xf32>
    %swap3A_118 = vector.shape_cast %broadcast_in_dim3A_59 : vector<16xf32> to vector<1x16xf32>
    tpu.vector_store %arg7[%swap3A_114, %swap3A_115], %swap3A_118 {strides = array<i32>} : memref<8x128xf32, #tpu.memory_space<vmem>>, vector<1x16xf32>,
    %swap3A_119 = arith.constant 1 : i32
    %swap3A_120 = arith.index_cast %swap3A_119 : i32 to index
    %swap3A_121 = arith.constant 32 : index
    %swap3A_122 = tpu.vector_load %arg7[%swap3A_120, %swap3A_121] {strides = array<i32>} : memref<8x128xf32, #tpu.memory_space<vmem>>, vector<1x16xf32>,
    %swap3A_123 = vector.shape_cast %swap3A_122 : vector<1x16xf32> to vector<16xf32>
    %swap3A_124 = vector.shape_cast %broadcast_in_dim3A_59 : vector<16xf32> to vector<1x16xf32>
    tpu.vector_store %arg7[%swap3A_120, %swap3A_121], %swap3A_124 {strides = array<i32>} : memref<8x128xf32, #tpu.memory_space<vmem>>, vector<1x16xf32>,
    %swap3A_125 = arith.constant 1 : i32
    %swap3A_126 = arith.index_cast %swap3A_125 : i32 to index
    %swap3A_127 = arith.constant 48 : index
    %swap3A_128 = tpu.vector_load %arg7[%swap3A_126, %swap3A_127] {strides = array<i32>} : memref<8x128xf32, #tpu.memory_space<vmem>>, vector<1x16xf32>,
    %swap3A_129 = vector.shape_cast %swap3A_128 : vector<1x16xf32> to vector<16xf32>
    %swap3A_130 = vector.shape_cast %broadcast_in_dim3A_59 : vector<16xf32> to vector<1x16xf32>
    tpu.vector_store %arg7[%swap3A_126, %swap3A_127], %swap3A_130 {strides = array<i32>} : memref<8x128xf32, #tpu.memory_space<vmem>>, vector<1x16xf32>,
    %swap3A_131 = arith.constant 1 : i32
    %swap3A_132 = arith.index_cast %swap3A_131 : i32 to index
    %swap3A_133 = arith.constant 64 : index
    %swap3A_134 = tpu.vector_load %arg7[%swap3A_132, %swap3A_133] {strides = array<i32>} : memref<8x128xf32, #tpu.memory_space<vmem>>, vector<1x16xf32>,
    %swap3A_135 = vector.shape_cast %swap3A_134 : vector<1x16xf32> to vector<16xf32>
    %swap3A_136 = vector.shape_cast %broadcast_in_dim3A_59 : vector<16xf32> to vector<1x16xf32>
    tpu.vector_store %arg7[%swap3A_132, %swap3A_133], %swap3A_136 {strides = array<i32>} : memref<8x128xf32, #tpu.memory_space<vmem>>, vector<1x16xf32>,
    %swap3A_137 = arith.constant 1 : i32
    %swap3A_138 = arith.index_cast %swap3A_137 : i32 to index
    %swap3A_139 = arith.constant 80 : index
    %swap3A_140 = tpu.vector_load %arg7[%swap3A_138, %swap3A_139] {strides = array<i32>} : memref<8x128xf32, #tpu.memory_space<vmem>>, vector<1x16xf32>,
    %swap3A_141 = vector.shape_cast %swap3A_140 : vector<1x16xf32> to vector<16xf32>
    %swap3A_142 = vector.shape_cast %broadcast_in_dim3A_59 : vector<16xf32> to vector<1x16xf32>
    tpu.vector_store %arg7[%swap3A_138, %swap3A_139], %swap3A_142 {strides = array<i32>} : memref<8x128xf32, #tpu.memory_space<vmem>>, vector<1x16xf32>,
    %swap3A_143 = arith.constant 1 : i32
    %swap3A_144 = arith.index_cast %swap3A_143 : i32 to index
    %swap3A_145 = arith.constant 96 : index
    %swap3A_146 = tpu.vector_load %arg7[%swap3A_144, %swap3A_145] {strides = array<i32>} : memref<8x128xf32, #tpu.memory_space<vmem>>, vector<1x16xf32>,
    %swap3A_147 = vector.shape_cast %swap3A_146 : vector<1x16xf32> to vector<16xf32>
    %swap3A_148 = vector.shape_cast %broadcast_in_dim3A_59 : vector<16xf32> to vector<1x16xf32>
    tpu.vector_store %arg7[%swap3A_144, %swap3A_145], %swap3A_148 {strides = array<i32>} : memref<8x128xf32, #tpu.memory_space<vmem>>, vector<1x16xf32>,
    %swap3A_149 = arith.constant 1 : i32
    %swap3A_150 = arith.index_cast %swap3A_149 : i32 to index
    %swap3A_151 = arith.constant 112 : index
    %swap3A_152 = tpu.vector_load %arg7[%swap3A_150, %swap3A_151] {strides = array<i32>} : memref<8x128xf32, #tpu.memory_space<vmem>>, vector<1x16xf32>,
    %swap3A_153 = vector.shape_cast %swap3A_152 : vector<1x16xf32> to vector<16xf32>
    %swap3A_154 = vector.shape_cast %broadcast_in_dim3A_59 : vector<16xf32> to vector<1x16xf32>
    tpu.vector_store %arg7[%swap3A_150, %swap3A_151], %swap3A_154 {strides = array<i32>} : memref<8x128xf32, #tpu.memory_space<vmem>>, vector<1x16xf32>,
    %swap3A_155 = arith.constant 2 : i32
    %swap3A_156 = arith.index_cast %swap3A_155 : i32 to index
    %swap3A_157 = arith.constant 0 : index
    %swap3A_158 = tpu.vector_load %arg7[%swap3A_156, %swap3A_157] {strides = array<i32>} : memref<8x128xf32, #tpu.memory_space<vmem>>, vector<1x16xf32>,
    %swap3A_159 = vector.shape_cast %swap3A_158 : vector<1x16xf32> to vector<16xf32>
    %swap3A_160 = vector.shape_cast %broadcast_in_dim3A_59 : vector<16xf32> to vector<1x16xf32>
    tpu.vector_store %arg7[%swap3A_156, %swap3A_157], %swap3A_160 {strides = array<i32>} : memref<8x128xf32, #tpu.memory_space<vmem>>, vector<1x16xf32>,
    %swap3A_161 = arith.constant 2 : i32
    %swap3A_162 = arith.index_cast %swap3A_161 : i32 to index
    %swap3A_163 = arith.constant 16 : index
    %swap3A_164 = tpu.vector_load %arg7[%swap3A_162, %swap3A_163] {strides = array<i32>} : memref<8x128xf32, #tpu.memory_space<vmem>>, vector<1x16xf32>,
    %swap3A_165 = vector.shape_cast %swap3A_164 : vector<1x16xf32> to vector<16xf32>
    %swap3A_166 = vector.shape_cast %broadcast_in_dim3A_59 : vector<16xf32> to vector<1x16xf32>
    tpu.vector_store %arg7[%swap3A_162, %swap3A_163], %swap3A_166 {strides = array<i32>} : memref<8x128xf32, #tpu.memory_space<vmem>>, vector<1x16xf32>,
    %swap3A_167 = arith.constant 2 : i32
    %swap3A_168 = arith.index_cast %swap3A_167 : i32 to index
    %swap3A_169 = arith.constant 32 : index
    %swap3A_170 = tpu.vector_load %arg7[%swap3A_168, %swap3A_169] {strides = array<i32>} : memref<8x128xf32, #tpu.memory_space<vmem>>, vector<1x16xf32>,
    %swap3A_171 = vector.shape_cast %swap3A_170 : vector<1x16xf32> to vector<16xf32>
    %swap3A_172 = vector.shape_cast %broadcast_in_dim3A_59 : vector<16xf32> to vector<1x16xf32>
    tpu.vector_store %arg7[%swap3A_168, %swap3A_169], %swap3A_172 {strides = array<i32>} : memref<8x128xf32, #tpu.memory_space<vmem>>, vector<1x16xf32>,
    %swap3A_173 = arith.constant 2 : i32
    %swap3A_174 = arith.index_cast %swap3A_173 : i32 to index
    %swap3A_175 = arith.constant 48 : index
    %swap3A_176 = tpu.vector_load %arg7[%swap3A_174, %swap3A_175] {strides = array<i32>} : memref<8x128xf32, #tpu.memory_space<vmem>>, vector<1x16xf32>,
    %swap3A_177 = vector.shape_cast %swap3A_176 : vector<1x16xf32> to vector<16xf32>
    %swap3A_178 = vector.shape_cast %broadcast_in_dim3A_59 : vector<16xf32> to vector<1x16xf32>
    tpu.vector_store %arg7[%swap3A_174, %swap3A_175], %swap3A_178 {strides = array<i32>} : memref<8x128xf32, #tpu.memory_space<vmem>>, vector<1x16xf32>,
    %swap3A_179 = arith.constant 2 : i32
    %swap3A_180 = arith.index_cast %swap3A_179 : i32 to index
    %swap3A_181 = arith.constant 64 : index
    %swap3A_182 = tpu.vector_load %arg7[%swap3A_180, %swap3A_181] {strides = array<i32>} : memref<8x128xf32, #tpu.memory_space<vmem>>, vector<1x16xf32>,
    %swap3A_183 = vector.shape_cast %swap3A_182 : vector<1x16xf32> to vector<16xf32>
    %swap3A_184 = vector.shape_cast %broadcast_in_dim3A_59 : vector<16xf32> to vector<1x16xf32>
    tpu.vector_store %arg7[%swap3A_180, %swap3A_181], %swap3A_184 {strides = array<i32>} : memref<8x128xf32, #tpu.memory_space<vmem>>, vector<1x16xf32>,
    %swap3A_185 = arith.constant 2 : i32
    %swap3A_186 = arith.index_cast %swap3A_185 : i32 to index
    %swap3A_187 = arith.constant 80 : index
    %swap3A_188 = tpu.vector_load %arg7[%swap3A_186, %swap3A_187] {strides = array<i32>} : memref<8x128xf32, #tpu.memory_space<vmem>>, vector<1x16xf32>,
    %swap3A_189 = vector.shape_cast %swap3A_188 : vector<1x16xf32> to vector<16xf32>
    %swap3A_190 = vector.shape_cast %broadcast_in_dim3A_59 : vector<16xf32> to vector<1x16xf32>
    tpu.vector_store %arg7[%swap3A_186, %swap3A_187], %swap3A_190 {strides = array<i32>} : memref<8x128xf32, #tpu.memory_space<vmem>>, vector<1x16xf32>,
    %swap3A_191 = arith.constant 2 : i32
    %swap3A_192 = arith.index_cast %swap3A_191 : i32 to index
    %swap3A_193 = arith.constant 96 : index
    %swap3A_194 = tpu.vector_load %arg7[%swap3A_192, %swap3A_193] {strides = array<i32>} : memref<8x128xf32, #tpu.memory_space<vmem>>, vector<1x16xf32>,
    %swap3A_195 = vector.shape_cast %swap3A_194 : vector<1x16xf32> to vector<16xf32>
    %swap3A_196 = vector.shape_cast %broadcast_in_dim3A_59 : vector<16xf32> to vector<1x16xf32>
    tpu.vector_store %arg7[%swap3A_192, %swap3A_193], %swap3A_196 {strides = array<i32>} : memref<8x128xf32, #tpu.memory_space<vmem>>, vector<1x16xf32>,
    %swap3A_197 = arith.constant 2 : i32
    %swap3A_198 = arith.index_cast %swap3A_197 : i32 to index
    %swap3A_199 = arith.constant 112 : index
    %swap3A_200 = tpu.vector_load %arg7[%swap3A_198, %swap3A_199] {strides = array<i32>} : memref<8x128xf32, #tpu.memory_space<vmem>>, vector<1x16xf32>,
    %swap3A_201 = vector.shape_cast %swap3A_200 : vector<1x16xf32> to vector<16xf32>
    %swap3A_202 = vector.shape_cast %broadcast_in_dim3A_59 : vector<16xf32> to vector<1x16xf32>
    tpu.vector_store %arg7[%swap3A_198, %swap3A_199], %swap3A_202 {strides = array<i32>} : memref<8x128xf32, #tpu.memory_space<vmem>>, vector<1x16xf32>,
    %swap3A_203 = arith.constant 3 : i32
    %swap3A_204 = arith.index_cast %swap3A_203 : i32 to index
    %swap3A_205 = arith.constant 0 : index
    %swap3A_206 = tpu.vector_load %arg7[%swap3A_204, %swap3A_205] {strides = array<i32>} : memref<8x128xf32, #tpu.memory_space<vmem>>, vector<1x16xf32>,
    %swap3A_207 = vector.shape_cast %swap3A_206 : vector<1x16xf32> to vector<16xf32>
    %swap3A_208 = vector.shape_cast %broadcast_in_dim3A_59 : vector<16xf32> to vector<1x16xf32>
    tpu.vector_store %arg7[%swap3A_204, %swap3A_205], %swap3A_208 {strides = array<i32>} : memref<8x128xf32, #tpu.memory_space<vmem>>, vector<1x16xf32>,
    %swap3A_209 = arith.constant 3 : i32
    %swap3A_210 = arith.index_cast %swap3A_209 : i32 to index
    %swap3A_211 = arith.constant 16 : index
    %swap3A_212 = tpu.vector_load %arg7[%swap3A_210, %swap3A_211] {strides = array<i32>} : memref<8x128xf32, #tpu.memory_space<vmem>>, vector<1x16xf32>,
    %swap3A_213 = vector.shape_cast %swap3A_212 : vector<1x16xf32> to vector<16xf32>
    %swap3A_214 = vector.shape_cast %broadcast_in_dim3A_59 : vector<16xf32> to vector<1x16xf32>
    tpu.vector_store %arg7[%swap3A_210, %swap3A_211], %swap3A_214 {strides = array<i32>} : memref<8x128xf32, #tpu.memory_space<vmem>>, vector<1x16xf32>,
    %swap3A_215 = arith.constant 3 : i32
    %swap3A_216 = arith.index_cast %swap3A_215 : i32 to index
    %swap3A_217 = arith.constant 32 : index
    %swap3A_218 = tpu.vector_load %arg7[%swap3A_216, %swap3A_217] {strides = array<i32>} : memref<8x128xf32, #tpu.memory_space<vmem>>, vector<1x16xf32>,
    %swap3A_219 = vector.shape_cast %swap3A_218 : vector<1x16xf32> to vector<16xf32>
    %swap3A_220 = vector.shape_cast %broadcast_in_dim3A_59 : vector<16xf32> to vector<1x16xf32>
    tpu.vector_store %arg7[%swap3A_216, %swap3A_217], %swap3A_220 {strides = array<i32>} : memref<8x128xf32, #tpu.memory_space<vmem>>, vector<1x16xf32>,
    %swap3A_221 = arith.constant 3 : i32
    %swap3A_222 = arith.index_cast %swap3A_221 : i32 to index
    %swap3A_223 = arith.constant 48 : index
    %swap3A_224 = tpu.vector_load %arg7[%swap3A_222, %swap3A_223] {strides = array<i32>} : memref<8x128xf32, #tpu.memory_space<vmem>>, vector<1x16xf32>,
    %swap3A_225 = vector.shape_cast %swap3A_224 : vector<1x16xf32> to vector<16xf32>
    %swap3A_226 = vector.shape_cast %broadcast_in_dim3A_59 : vector<16xf32> to vector<1x16xf32>
    tpu.vector_store %arg7[%swap3A_222, %swap3A_223], %swap3A_226 {strides = array<i32>} : memref<8x128xf32, #tpu.memory_space<vmem>>, vector<1x16xf32>,
    %swap3A_227 = arith.constant 3 : i32
    %swap3A_228 = arith.index_cast %swap3A_227 : i32 to index
    %swap3A_229 = arith.constant 64 : index
    %swap3A_230 = tpu.vector_load %arg7[%swap3A_228, %swap3A_229] {strides = array<i32>} : memref<8x128xf32, #tpu.memory_space<vmem>>, vector<1x16xf32>,
    %swap3A_231 = vector.shape_cast %swap3A_230 : vector<1x16xf32> to vector<16xf32>
    %swap3A_232 = vector.shape_cast %broadcast_in_dim3A_59 : vector<16xf32> to vector<1x16xf32>
    tpu.vector_store %arg7[%swap3A_228, %swap3A_229], %swap3A_232 {strides = array<i32>} : memref<8x128xf32, #tpu.memory_space<vmem>>, vector<1x16xf32>,
    %swap3A_233 = arith.constant 3 : i32
    %swap3A_234 = arith.index_cast %swap3A_233 : i32 to index
    %swap3A_235 = arith.constant 80 : index
    %swap3A_236 = tpu.vector_load %arg7[%swap3A_234, %swap3A_235] {strides = array<i32>} : memref<8x128xf32, #tpu.memory_space<vmem>>, vector<1x16xf32>,
    %swap3A_237 = vector.shape_cast %swap3A_236 : vector<1x16xf32> to vector<16xf32>
    %swap3A_238 = vector.shape_cast %broadcast_in_dim3A_59 : vector<16xf32> to vector<1x16xf32>
    tpu.vector_store %arg7[%swap3A_234, %swap3A_235], %swap3A_238 {strides = array<i32>} : memref<8x128xf32, #tpu.memory_space<vmem>>, vector<1x16xf32>,
    %swap3A_239 = arith.constant 3 : i32
    %swap3A_240 = arith.index_cast %swap3A_239 : i32 to index
    %swap3A_241 = arith.constant 96 : index
    %swap3A_242 = tpu.vector_load %arg7[%swap3A_240, %swap3A_241] {strides = array<i32>} : memref<8x128xf32, #tpu.memory_space<vmem>>, vector<1x16xf32>,
    %swap3A_243 = vector.shape_cast %swap3A_242 : vector<1x16xf32> to vector<16xf32>
    %swap3A_244 = vector.shape_cast %broadcast_in_dim3A_59 : vector<16xf32> to vector<1x16xf32>
    tpu.vector_store %arg7[%swap3A_240, %swap3A_241], %swap3A_244 {strides = array<i32>} : memref<8x128xf32, #tpu.memory_space<vmem>>, vector<1x16xf32>,
    %swap3A_245 = arith.constant 3 : i32
    %swap3A_246 = arith.index_cast %swap3A_245 : i32 to index
    %swap3A_247 = arith.constant 112 : index
    %swap3A_248 = tpu.vector_load %arg7[%swap3A_246, %swap3A_247] {strides = array<i32>} : memref<8x128xf32, #tpu.memory_space<vmem>>, vector<1x16xf32>,
    %swap3A_249 = vector.shape_cast %swap3A_248 : vector<1x16xf32> to vector<16xf32>
    %swap3A_250 = vector.shape_cast %broadcast_in_dim3A_59 : vector<16xf32> to vector<1x16xf32>
    tpu.vector_store %arg7[%swap3A_246, %swap3A_247], %swap3A_250 {strides = array<i32>} : memref<8x128xf32, #tpu.memory_space<vmem>>, vector<1x16xf32>,
    %swap3A_251 = arith.constant 4 : i32
    %swap3A_252 = arith.index_cast %swap3A_251 : i32 to index
    %swap3A_253 = arith.constant 0 : index
    %swap3A_254 = tpu.vector_load %arg7[%swap3A_252, %swap3A_253] {strides = array<i32>} : memref<8x128xf32, #tpu.memory_space<vmem>>, vector<1x16xf32>,
    %swap3A_255 = vector.shape_cast %swap3A_254 : vector<1x16xf32> to vector<16xf32>
    %swap3A_256 = vector.shape_cast %broadcast_in_dim3A_59 : vector<16xf32> to vector<1x16xf32>
    tpu.vector_store %arg7[%swap3A_252, %swap3A_253], %swap3A_256 {strides = array<i32>} : memref<8x128xf32, #tpu.memory_space<vmem>>, vector<1x16xf32>,
    %swap3A_257 = arith.constant 4 : i32
    %swap3A_258 = arith.index_cast %swap3A_257 : i32 to index
    %swap3A_259 = arith.constant 16 : index
    %swap3A_260 = tpu.vector_load %arg7[%swap3A_258, %swap3A_259] {strides = array<i32>} : memref<8x128xf32, #tpu.memory_space<vmem>>, vector<1x16xf32>,
    %swap3A_261 = vector.shape_cast %swap3A_260 : vector<1x16xf32> to vector<16xf32>
    %swap3A_262 = vector.shape_cast %broadcast_in_dim3A_59 : vector<16xf32> to vector<1x16xf32>
    tpu.vector_store %arg7[%swap3A_258, %swap3A_259], %swap3A_262 {strides = array<i32>} : memref<8x128xf32, #tpu.memory_space<vmem>>, vector<1x16xf32>,
    %swap3A_263 = arith.constant 4 : i32
    %swap3A_264 = arith.index_cast %swap3A_263 : i32 to index
    %swap3A_265 = arith.constant 32 : index
    %swap3A_266 = tpu.vector_load %arg7[%swap3A_264, %swap3A_265] {strides = array<i32>} : memref<8x128xf32, #tpu.memory_space<vmem>>, vector<1x16xf32>,
    %swap3A_267 = vector.shape_cast %swap3A_266 : vector<1x16xf32> to vector<16xf32>
    %swap3A_268 = vector.shape_cast %broadcast_in_dim3A_59 : vector<16xf32> to vector<1x16xf32>
    tpu.vector_store %arg7[%swap3A_264, %swap3A_265], %swap3A_268 {strides = array<i32>} : memref<8x128xf32, #tpu.memory_space<vmem>>, vector<1x16xf32>,
    %swap3A_269 = arith.constant 4 : i32
    %swap3A_270 = arith.index_cast %swap3A_269 : i32 to index
    %swap3A_271 = arith.constant 48 : index
    %swap3A_272 = tpu.vector_load %arg7[%swap3A_270, %swap3A_271] {strides = array<i32>} : memref<8x128xf32, #tpu.memory_space<vmem>>, vector<1x16xf32>,
    %swap3A_273 = vector.shape_cast %swap3A_272 : vector<1x16xf32> to vector<16xf32>
    %swap3A_274 = vector.shape_cast %broadcast_in_dim3A_59 : vector<16xf32> to vector<1x16xf32>
    tpu.vector_store %arg7[%swap3A_270, %swap3A_271], %swap3A_274 {strides = array<i32>} : memref<8x128xf32, #tpu.memory_space<vmem>>, vector<1x16xf32>,
    %swap3A_275 = arith.constant 4 : i32
    %swap3A_276 = arith.index_cast %swap3A_275 : i32 to index
    %swap3A_277 = arith.constant 64 : index
    %swap3A_278 = tpu.vector_load %arg7[%swap3A_276, %swap3A_277] {strides = array<i32>} : memref<8x128xf32, #tpu.memory_space<vmem>>, vector<1x16xf32>,
    %swap3A_279 = vector.shape_cast %swap3A_278 : vector<1x16xf32> to vector<16xf32>
    %swap3A_280 = vector.shape_cast %broadcast_in_dim3A_59 : vector<16xf32> to vector<1x16xf32>
    tpu.vector_store %arg7[%swap3A_276, %swap3A_277], %swap3A_280 {strides = array<i32>} : memref<8x128xf32, #tpu.memory_space<vmem>>, vector<1x16xf32>,
    %swap3A_281 = arith.constant 4 : i32
    %swap3A_282 = arith.index_cast %swap3A_281 : i32 to index
    %swap3A_283 = arith.constant 80 : index
    %swap3A_284 = tpu.vector_load %arg7[%swap3A_282, %swap3A_283] {strides = array<i32>} : memref<8x128xf32, #tpu.memory_space<vmem>>, vector<1x16xf32>,
    %swap3A_285 = vector.shape_cast %swap3A_284 : vector<1x16xf32> to vector<16xf32>
    %swap3A_286 = vector.shape_cast %broadcast_in_dim3A_59 : vector<16xf32> to vector<1x16xf32>
    tpu.vector_store %arg7[%swap3A_282, %swap3A_283], %swap3A_286 {strides = array<i32>} : memref<8x128xf32, #tpu.memory_space<vmem>>, vector<1x16xf32>,
    %swap3A_287 = arith.constant 4 : i32
    %swap3A_288 = arith.index_cast %swap3A_287 : i32 to index
    %swap3A_289 = arith.constant 96 : index
    %swap3A_290 = tpu.vector_load %arg7[%swap3A_288, %swap3A_289] {strides = array<i32>} : memref<8x128xf32, #tpu.memory_space<vmem>>, vector<1x16xf32>,
    %swap3A_291 = vector.shape_cast %swap3A_290 : vector<1x16xf32> to vector<16xf32>
    %swap3A_292 = vector.shape_cast %broadcast_in_dim3A_59 : vector<16xf32> to vector<1x16xf32>
    tpu.vector_store %arg7[%swap3A_288, %swap3A_289], %swap3A_292 {strides = array<i32>} : memref<8x128xf32, #tpu.memory_space<vmem>>, vector<1x16xf32>,
    %swap3A_293 = arith.constant 4 : i32
    %swap3A_294 = arith.index_cast %swap3A_293 : i32 to index
    %swap3A_295 = arith.constant 112 : index
    %swap3A_296 = tpu.vector_load %arg7[%swap3A_294, %swap3A_295] {strides = array<i32>} : memref<8x128xf32, #tpu.memory_space<vmem>>, vector<1x16xf32>,
    %swap3A_297 = vector.shape_cast %swap3A_296 : vector<1x16xf32> to vector<16xf32>
    %swap3A_298 = vector.shape_cast %broadcast_in_dim3A_59 : vector<16xf32> to vector<1x16xf32>
    tpu.vector_store %arg7[%swap3A_294, %swap3A_295], %swap3A_298 {strides = array<i32>} : memref<8x128xf32, #tpu.memory_space<vmem>>, vector<1x16xf32>,
    %swap3A_299 = arith.constant 5 : i32
    %swap3A_300 = arith.index_cast %swap3A_299 : i32 to index
    %swap3A_301 = arith.constant 0 : index
    %swap3A_302 = tpu.vector_load %arg7[%swap3A_300, %swap3A_301] {strides = array<i32>} : memref<8x128xf32, #tpu.memory_space<vmem>>, vector<1x16xf32>,
    %swap3A_303 = vector.shape_cast %swap3A_302 : vector<1x16xf32> to vector<16xf32>
    %swap3A_304 = vector.shape_cast %broadcast_in_dim3A_59 : vector<16xf32> to vector<1x16xf32>
    tpu.vector_store %arg7[%swap3A_300, %swap3A_301], %swap3A_304 {strides = array<i32>} : memref<8x128xf32, #tpu.memory_space<vmem>>, vector<1x16xf32>,
    %swap3A_305 = arith.constant 5 : i32
    %swap3A_306 = arith.index_cast %swap3A_305 : i32 to index
    %swap3A_307 = arith.constant 16 : index
    %swap3A_308 = tpu.vector_load %arg7[%swap3A_306, %swap3A_307] {strides = array<i32>} : memref<8x128xf32, #tpu.memory_space<vmem>>, vector<1x16xf32>,
    %swap3A_309 = vector.shape_cast %swap3A_308 : vector<1x16xf32> to vector<16xf32>
    %swap3A_310 = vector.shape_cast %broadcast_in_dim3A_59 : vector<16xf32> to vector<1x16xf32>
    tpu.vector_store %arg7[%swap3A_306, %swap3A_307], %swap3A_310 {strides = array<i32>} : memref<8x128xf32, #tpu.memory_space<vmem>>, vector<1x16xf32>,
    %swap3A_311 = arith.constant 5 : i32
    %swap3A_312 = arith.index_cast %swap3A_311 : i32 to index
    %swap3A_313 = arith.constant 32 : index
    %swap3A_314 = tpu.vector_load %arg7[%swap3A_312, %swap3A_313] {strides = array<i32>} : memref<8x128xf32, #tpu.memory_space<vmem>>, vector<1x16xf32>,
    %swap3A_315 = vector.shape_cast %swap3A_314 : vector<1x16xf32> to vector<16xf32>
    %swap3A_316 = vector.shape_cast %broadcast_in_dim3A_59 : vector<16xf32> to vector<1x16xf32>
    tpu.vector_store %arg7[%swap3A_312, %swap3A_313], %swap3A_316 {strides = array<i32>} : memref<8x128xf32, #tpu.memory_space<vmem>>, vector<1x16xf32>,
    %swap3A_317 = arith.constant 5 : i32
    %swap3A_318 = arith.index_cast %swap3A_317 : i32 to index
    %swap3A_319 = arith.constant 48 : index
    %swap3A_320 = tpu.vector_load %arg7[%swap3A_318, %swap3A_319] {strides = array<i32>} : memref<8x128xf32, #tpu.memory_space<vmem>>, vector<1x16xf32>,
    %swap3A_321 = vector.shape_cast %swap3A_320 : vector<1x16xf32> to vector<16xf32>
    %swap3A_322 = vector.shape_cast %broadcast_in_dim3A_59 : vector<16xf32> to vector<1x16xf32>
    tpu.vector_store %arg7[%swap3A_318, %swap3A_319], %swap3A_322 {strides = array<i32>} : memref<8x128xf32, #tpu.memory_space<vmem>>, vector<1x16xf32>,
    %swap3A_323 = arith.constant 5 : i32
    %swap3A_324 = arith.index_cast %swap3A_323 : i32 to index
    %swap3A_325 = arith.constant 64 : index
    %swap3A_326 = tpu.vector_load %arg7[%swap3A_324, %swap3A_325] {strides = array<i32>} : memref<8x128xf32, #tpu.memory_space<vmem>>, vector<1x16xf32>,
    %swap3A_327 = vector.shape_cast %swap3A_326 : vector<1x16xf32> to vector<16xf32>
    %swap3A_328 = vector.shape_cast %broadcast_in_dim3A_59 : vector<16xf32> to vector<1x16xf32>
    tpu.vector_store %arg7[%swap3A_324, %swap3A_325], %swap3A_328 {strides = array<i32>} : memref<8x128xf32, #tpu.memory_space<vmem>>, vector<1x16xf32>,
    %swap3A_329 = arith.constant 5 : i32
    %swap3A_330 = arith.index_cast %swap3A_329 : i32 to index
    %swap3A_331 = arith.constant 80 : index
    %swap3A_332 = tpu.vector_load %arg7[%swap3A_330, %swap3A_331] {strides = array<i32>} : memref<8x128xf32, #tpu.memory_space<vmem>>, vector<1x16xf32>,
    %swap3A_333 = vector.shape_cast %swap3A_332 : vector<1x16xf32> to vector<16xf32>
    %swap3A_334 = vector.shape_cast %broadcast_in_dim3A_59 : vector<16xf32> to vector<1x16xf32>
    tpu.vector_store %arg7[%swap3A_330, %swap3A_331], %swap3A_334 {strides = array<i32>} : memref<8x128xf32, #tpu.memory_space<vmem>>, vector<1x16xf32>,
    %swap3A_335 = arith.constant 5 : i32
    %swap3A_336 = arith.index_cast %swap3A_335 : i32 to index
    %swap3A_337 = arith.constant 96 : index
    %swap3A_338 = tpu.vector_load %arg7[%swap3A_336, %swap3A_337] {strides = array<i32>} : memref<8x128xf32, #tpu.memory_space<vmem>>, vector<1x16xf32>,
    %swap3A_339 = vector.shape_cast %swap3A_338 : vector<1x16xf32> to vector<16xf32>
    %swap3A_340 = vector.shape_cast %broadcast_in_dim3A_59 : vector<16xf32> to vector<1x16xf32>
    tpu.vector_store %arg7[%swap3A_336, %swap3A_337], %swap3A_340 {strides = array<i32>} : memref<8x128xf32, #tpu.memory_space<vmem>>, vector<1x16xf32>,
    %swap3A_341 = arith.constant 5 : i32
    %swap3A_342 = arith.index_cast %swap3A_341 : i32 to index
    %swap3A_343 = arith.constant 112 : index
    %swap3A_344 = tpu.vector_load %arg7[%swap3A_342, %swap3A_343] {strides = array<i32>} : memref<8x128xf32, #tpu.memory_space<vmem>>, vector<1x16xf32>,
    %swap3A_345 = vector.shape_cast %swap3A_344 : vector<1x16xf32> to vector<16xf32>
    %swap3A_346 = vector.shape_cast %broadcast_in_dim3A_59 : vector<16xf32> to vector<1x16xf32>
    tpu.vector_store %arg7[%swap3A_342, %swap3A_343], %swap3A_346 {strides = array<i32>} : memref<8x128xf32, #tpu.memory_space<vmem>>, vector<1x16xf32>,
    %swap3A_347 = arith.constant 6 : i32
    %swap3A_348 = arith.index_cast %swap3A_347 : i32 to index
    %swap3A_349 = arith.constant 0 : index
    %swap3A_350 = tpu.vector_load %arg7[%swap3A_348, %swap3A_349] {strides = array<i32>} : memref<8x128xf32, #tpu.memory_space<vmem>>, vector<1x16xf32>,
    %swap3A_351 = vector.shape_cast %swap3A_350 : vector<1x16xf32> to vector<16xf32>
    %swap3A_352 = vector.shape_cast %broadcast_in_dim3A_59 : vector<16xf32> to vector<1x16xf32>
    tpu.vector_store %arg7[%swap3A_348, %swap3A_349], %swap3A_352 {strides = array<i32>} : memref<8x128xf32, #tpu.memory_space<vmem>>, vector<1x16xf32>,
    %swap3A_353 = arith.constant 6 : i32
    %swap3A_354 = arith.index_cast %swap3A_353 : i32 to index
    %swap3A_355 = arith.constant 16 : index
    %swap3A_356 = tpu.vector_load %arg7[%swap3A_354, %swap3A_355] {strides = array<i32>} : memref<8x128xf32, #tpu.memory_space<vmem>>, vector<1x16xf32>,
    %swap3A_357 = vector.shape_cast %swap3A_356 : vector<1x16xf32> to vector<16xf32>
    %swap3A_358 = vector.shape_cast %broadcast_in_dim3A_59 : vector<16xf32> to vector<1x16xf32>
    tpu.vector_store %arg7[%swap3A_354, %swap3A_355], %swap3A_358 {strides = array<i32>} : memref<8x128xf32, #tpu.memory_space<vmem>>, vector<1x16xf32>,
    %swap3A_359 = arith.constant 6 : i32
    %swap3A_360 = arith.index_cast %swap3A_359 : i32 to index
    %swap3A_361 = arith.constant 32 : index
    %swap3A_362 = tpu.vector_load %arg7[%swap3A_360, %swap3A_361] {strides = array<i32>} : memref<8x128xf32, #tpu.memory_space<vmem>>, vector<1x16xf32>,
    %swap3A_363 = vector.shape_cast %swap3A_362 : vector<1x16xf32> to vector<16xf32>
    %swap3A_364 = vector.shape_cast %broadcast_in_dim3A_59 : vector<16xf32> to vector<1x16xf32>
    tpu.vector_store %arg7[%swap3A_360, %swap3A_361], %swap3A_364 {strides = array<i32>} : memref<8x128xf32, #tpu.memory_space<vmem>>, vector<1x16xf32>,
    %swap3A_365 = arith.constant 6 : i32
    %swap3A_366 = arith.index_cast %swap3A_365 : i32 to index
    %swap3A_367 = arith.constant 48 : index
    %swap3A_368 = tpu.vector_load %arg7[%swap3A_366, %swap3A_367] {strides = array<i32>} : memref<8x128xf32, #tpu.memory_space<vmem>>, vector<1x16xf32>,
    %swap3A_369 = vector.shape_cast %swap3A_368 : vector<1x16xf32> to vector<16xf32>
    %swap3A_370 = vector.shape_cast %broadcast_in_dim3A_59 : vector<16xf32> to vector<1x16xf32>
    tpu.vector_store %arg7[%swap3A_366, %swap3A_367], %swap3A_370 {strides = array<i32>} : memref<8x128xf32, #tpu.memory_space<vmem>>, vector<1x16xf32>,
    %swap3A_371 = arith.constant 6 : i32
    %swap3A_372 = arith.index_cast %swap3A_371 : i32 to index
    %swap3A_373 = arith.constant 64 : index
    %swap3A_374 = tpu.vector_load %arg7[%swap3A_372, %swap3A_373] {strides = array<i32>} : memref<8x128xf32, #tpu.memory_space<vmem>>, vector<1x16xf32>,
    %swap3A_375 = vector.shape_cast %swap3A_374 : vector<1x16xf32> to vector<16xf32>
    %swap3A_376 = vector.shape_cast %broadcast_in_dim3A_59 : vector<16xf32> to vector<1x16xf32>
    tpu.vector_store %arg7[%swap3A_372, %swap3A_373], %swap3A_376 {strides = array<i32>} : memref<8x128xf32, #tpu.memory_space<vmem>>, vector<1x16xf32>,
    %swap3A_377 = arith.constant 6 : i32
    %swap3A_378 = arith.index_cast %swap3A_377 : i32 to index
    %swap3A_379 = arith.constant 80 : index
    %swap3A_380 = tpu.vector_load %arg7[%swap3A_378, %swap3A_379] {strides = array<i32>} : memref<8x128xf32, #tpu.memory_space<vmem>>, vector<1x16xf32>,
    %swap3A_381 = vector.shape_cast %swap3A_380 : vector<1x16xf32> to vector<16xf32>
    %swap3A_382 = vector.shape_cast %broadcast_in_dim3A_59 : vector<16xf32> to vector<1x16xf32>
    tpu.vector_store %arg7[%swap3A_378, %swap3A_379], %swap3A_382 {strides = array<i32>} : memref<8x128xf32, #tpu.memory_space<vmem>>, vector<1x16xf32>,
    %swap3A_383 = arith.constant 6 : i32
    %swap3A_384 = arith.index_cast %swap3A_383 : i32 to index
    %swap3A_385 = arith.constant 96 : index
    %swap3A_386 = tpu.vector_load %arg7[%swap3A_384, %swap3A_385] {strides = array<i32>} : memref<8x128xf32, #tpu.memory_space<vmem>>, vector<1x16xf32>,
    %swap3A_387 = vector.shape_cast %swap3A_386 : vector<1x16xf32> to vector<16xf32>
    %swap3A_388 = vector.shape_cast %broadcast_in_dim3A_59 : vector<16xf32> to vector<1x16xf32>
    tpu.vector_store %arg7[%swap3A_384, %swap3A_385], %swap3A_388 {strides = array<i32>} : memref<8x128xf32, #tpu.memory_space<vmem>>, vector<1x16xf32>,
    %swap3A_389 = arith.constant 6 : i32
    %swap3A_390 = arith.index_cast %swap3A_389 : i32 to index
    %swap3A_391 = arith.constant 112 : index
    %swap3A_392 = tpu.vector_load %arg7[%swap3A_390, %swap3A_391] {strides = array<i32>} : memref<8x128xf32, #tpu.memory_space<vmem>>, vector<1x16xf32>,
    %swap3A_393 = vector.shape_cast %swap3A_392 : vector<1x16xf32> to vector<16xf32>
    %swap3A_394 = vector.shape_cast %broadcast_in_dim3A_59 : vector<16xf32> to vector<1x16xf32>
    tpu.vector_store %arg7[%swap3A_390, %swap3A_391], %swap3A_394 {strides = array<i32>} : memref<8x128xf32, #tpu.memory_space<vmem>>, vector<1x16xf32>,
    %swap3A_395 = arith.constant 7 : i32
    %swap3A_396 = arith.index_cast %swap3A_395 : i32 to index
    %swap3A_397 = arith.constant 0 : index
    %swap3A_398 = tpu.vector_load %arg7[%swap3A_396, %swap3A_397] {strides = array<i32>} : memref<8x128xf32, #tpu.memory_space<vmem>>, vector<1x16xf32>,
    %swap3A_399 = vector.shape_cast %swap3A_398 : vector<1x16xf32> to vector<16xf32>
    %swap3A_400 = vector.shape_cast %broadcast_in_dim3A_59 : vector<16xf32> to vector<1x16xf32>
    tpu.vector_store %arg7[%swap3A_396, %swap3A_397], %swap3A_400 {strides = array<i32>} : memref<8x128xf32, #tpu.memory_space<vmem>>, vector<1x16xf32>,
    %swap3A_401 = arith.constant 7 : i32
    %swap3A_402 = arith.index_cast %swap3A_401 : i32 to index
    %swap3A_403 = arith.constant 16 : index
    %swap3A_404 = tpu.vector_load %arg7[%swap3A_402, %swap3A_403] {strides = array<i32>} : memref<8x128xf32, #tpu.memory_space<vmem>>, vector<1x16xf32>,
    %swap3A_405 = vector.shape_cast %swap3A_404 : vector<1x16xf32> to vector<16xf32>
    %swap3A_406 = vector.shape_cast %broadcast_in_dim3A_59 : vector<16xf32> to vector<1x16xf32>
    tpu.vector_store %arg7[%swap3A_402, %swap3A_403], %swap3A_406 {strides = array<i32>} : memref<8x128xf32, #tpu.memory_space<vmem>>, vector<1x16xf32>,
    %swap3A_407 = arith.constant 7 : i32
    %swap3A_408 = arith.index_cast %swap3A_407 : i32 to index
    %swap3A_409 = arith.constant 32 : index
    %swap3A_410 = tpu.vector_load %arg7[%swap3A_408, %swap3A_409] {strides = array<i32>} : memref<8x128xf32, #tpu.memory_space<vmem>>, vector<1x16xf32>,
    %swap3A_411 = vector.shape_cast %swap3A_410 : vector<1x16xf32> to vector<16xf32>
    %swap3A_412 = vector.shape_cast %broadcast_in_dim3A_59 : vector<16xf32> to vector<1x16xf32>
    tpu.vector_store %arg7[%swap3A_408, %swap3A_409], %swap3A_412 {strides = array<i32>} : memref<8x128xf32, #tpu.memory_space<vmem>>, vector<1x16xf32>,
    %swap3A_413 = arith.constant 7 : i32
    %swap3A_414 = arith.index_cast %swap3A_413 : i32 to index
    %swap3A_415 = arith.constant 48 : index
    %swap3A_416 = tpu.vector_load %arg7[%swap3A_414, %swap3A_415] {strides = array<i32>} : memref<8x128xf32, #tpu.memory_space<vmem>>, vector<1x16xf32>,
    %swap3A_417 = vector.shape_cast %swap3A_416 : vector<1x16xf32> to vector<16xf32>
    %swap3A_418 = vector.shape_cast %broadcast_in_dim3A_59 : vector<16xf32> to vector<1x16xf32>
    tpu.vector_store %arg7[%swap3A_414, %swap3A_415], %swap3A_418 {strides = array<i32>} : memref<8x128xf32, #tpu.memory_space<vmem>>, vector<1x16xf32>,
    %swap3A_419 = arith.constant 7 : i32
    %swap3A_420 = arith.index_cast %swap3A_419 : i32 to index
    %swap3A_421 = arith.constant 64 : index
    %swap3A_422 = tpu.vector_load %arg7[%swap3A_420, %swap3A_421] {strides = array<i32>} : memref<8x128xf32, #tpu.memory_space<vmem>>, vector<1x16xf32>,
    %swap3A_423 = vector.shape_cast %swap3A_422 : vector<1x16xf32> to vector<16xf32>
    %swap3A_424 = vector.shape_cast %broadcast_in_dim3A_59 : vector<16xf32> to vector<1x16xf32>
    tpu.vector_store %arg7[%swap3A_420, %swap3A_421], %swap3A_424 {strides = array<i32>} : memref<8x128xf32, #tpu.memory_space<vmem>>, vector<1x16xf32>,
    %swap3A_425 = arith.constant 7 : i32
    %swap3A_426 = arith.index_cast %swap3A_425 : i32 to index
    %swap3A_427 = arith.constant 80 : index
    %swap3A_428 = tpu.vector_load %arg7[%swap3A_426, %swap3A_427] {strides = array<i32>} : memref<8x128xf32, #tpu.memory_space<vmem>>, vector<1x16xf32>,
    %swap3A_429 = vector.shape_cast %swap3A_428 : vector<1x16xf32> to vector<16xf32>
    %swap3A_430 = vector.shape_cast %broadcast_in_dim3A_59 : vector<16xf32> to vector<1x16xf32>
    tpu.vector_store %arg7[%swap3A_426, %swap3A_427], %swap3A_430 {strides = array<i32>} : memref<8x128xf32, #tpu.memory_space<vmem>>, vector<1x16xf32>,
    %swap3A_431 = arith.constant 7 : i32
    %swap3A_432 = arith.index_cast %swap3A_431 : i32 to index
    %swap3A_433 = arith.constant 96 : index
    %swap3A_434 = tpu.vector_load %arg7[%swap3A_432, %swap3A_433] {strides = array<i32>} : memref<8x128xf32, #tpu.memory_space<vmem>>, vector<1x16xf32>,
    %swap3A_435 = vector.shape_cast %swap3A_434 : vector<1x16xf32> to vector<16xf32>
    %swap3A_436 = vector.shape_cast %broadcast_in_dim3A_59 : vector<16xf32> to vector<1x16xf32>
    tpu.vector_store %arg7[%swap3A_432, %swap3A_433], %swap3A_436 {strides = array<i32>} : memref<8x128xf32, #tpu.memory_space<vmem>>, vector<1x16xf32>,
    %swap3A_437 = arith.constant 7 : i32
    %swap3A_438 = arith.index_cast %swap3A_437 : i32 to index
    %swap3A_439 = arith.constant 112 : index
    %swap3A_440 = tpu.vector_load %arg7[%swap3A_438, %swap3A_439] {strides = array<i32>} : memref<8x128xf32, #tpu.memory_space<vmem>>, vector<1x16xf32>,
    %swap3A_441 = vector.shape_cast %swap3A_440 : vector<1x16xf32> to vector<16xf32>
    %swap3A_442 = vector.shape_cast %broadcast_in_dim3A_59 : vector<16xf32> to vector<1x16xf32>
    tpu.vector_store %arg7[%swap3A_438, %swap3A_439], %swap3A_442 {strides = array<i32>} : memref<8x128xf32, #tpu.memory_space<vmem>>, vector<1x16xf32>,
    %jit3A_443 = arith.constant 2 : i32
    %div3A_444 = arith.divsi %add3A, %jit3A_443 : i32
    %sign3A_445 = arith.constant 0 : i32
    %sign3A_446 = arith.cmpi sgt, %add3A, %sign3A_445 : i32
    %sign3A_447 = arith.extui %sign3A_446 : i1 to i32
    %sign3A_448 = arith.constant 0 : i32
    %sign3A_449 = arith.cmpi slt, %add3A, %sign3A_448 : i32
    %sign3A_450 = arith.extui %sign3A_449 : i1 to i32
    %sign3A_451 = arith.subi %sign3A_447, %sign3A_450 : i32
    %sign3A_452 = arith.constant 0 : i32
    %sign3A_453 = arith.cmpi sgt, %jit3A_443, %sign3A_452 : i32
    %sign3A_454 = arith.extui %sign3A_453 : i1 to i32
    %sign3A_455 = arith.constant 0 : i32
    %sign3A_456 = arith.cmpi slt, %jit3A_443, %sign3A_455 : i32
    %sign3A_457 = arith.extui %sign3A_456 : i1 to i32
    %sign3A_458 = arith.subi %sign3A_454, %sign3A_457 : i32
    %ne3A_459 = arith.cmpi ne, %sign3A_451, %sign3A_458 : i32
    %rem3A_460 = arith.remsi %add3A, %jit3A_443 : i32
    %ne3A_461 = arith.constant 0 : i32
    %ne3A_462 = arith.cmpi ne, %rem3A_460, %ne3A_461 : i32
    %and3A_463 = arith.andi %ne3A_459, %ne3A_462 : i1
    %sub3A_464 = arith.constant 1 : i32
    %sub3A_465 = arith.subi %div3A_444, %sub3A_464 : i32
    %select_n3A_466 = arith.select %and3A_463, %sub3A_465, %div3A_444 : i32
    %mul3A_467 = arith.constant 2064 : i32
    %mul3A_468 = arith.muli %select_n3A_466, %mul3A_467 : i32
    %jit3A_469 = arith.constant 2 : i32
    %eq3A = arith.constant 0 : i32
    %eq3A_470 = arith.cmpi eq, %jit3A_469, %eq3A : i32
    %jit3A_471 = arith.constant 1 : i32
    %select_n3A_472 = arith.select %eq3A_470, %jit3A_471, %jit3A_469 : i32
    %rem3A_473 = arith.remsi %add3A, %select_n3A_472 : i32
    %ne3A_474 = arith.constant 0 : i32
    %ne3A_475 = arith.cmpi ne, %rem3A_473, %ne3A_474 : i32
    %lt3A = arith.constant 0 : i32
    %lt3A_476 = arith.cmpi slt, %rem3A_473, %lt3A : i32
    %lt3A_477 = arith.constant 0 : i32
    %lt3A_478 = arith.cmpi slt, %select_n3A_472, %lt3A_477 : i32
    %ne3A_479 = arith.xori %lt3A_476, %lt3A_478 : i1
    %and3A_480 = arith.andi %ne3A_479, %ne3A_475 : i1
    %add3A_481 = arith.addi %rem3A_473, %select_n3A_472 : i32
    %select_n3A_482 = arith.select %and3A_480, %add3A_481, %rem3A_473 : i32
    %mul3A_483 = arith.constant 2056 : i32
    %mul3A_484 = arith.muli %select_n3A_482, %mul3A_483 : i32
    %add3A_485 = arith.addi %mul3A_468, %mul3A_484 : i32
    %lt3A_486 = arith.constant 8 : i32
    %lt3A_487 = arith.cmpi slt, %add3A, %lt3A_486 : i32
    %convert_element_type3A = arith.extui %lt3A_487 : i1 to i32
    %cond3A = arith.constant 0 : i32
    %cond3A_488 = arith.cmpi ne, %convert_element_type3A, %cond3A : i32
    scf.if %cond3A_488 {
      "tpu.region"() ({
        %run_scoped3A = tpu.sem_alloc : memref<!tpu.dma_semaphore, #tpu.memory_space<semaphore_mem>>
        %dma_start3A_489 = arith.constant 0 : i32
        %dma_start3A_490 = tpu.memref_slice %arg4[%add3A_485, %dma_start3A_489] : memref<8256x128xf32, #tpu.memory_space<hbm>> -> memref<8x128xf32, #tpu.memory_space<hbm>>
        %dma_start3A_491 = arith.constant 0 : i32
        %dma_start3A_492 = tpu.memref_slice %arg4[%add3A_485, %dma_start3A_491] : memref<8256x128xf32, #tpu.memory_space<hbm>> -> memref<8x128xf32, #tpu.memory_space<hbm>>
        tpu.enqueue_dma source(%arg7 : memref<8x128xf32, #tpu.memory_space<vmem>>) target(%dma_start3A_492 : memref<8x128xf32, #tpu.memory_space<hbm>>) target_semaphore(%run_scoped3A : memref<!tpu.dma_semaphore, #tpu.memory_space<semaphore_mem>>)
        %dma_wait3A_493 = arith.constant 0 : i32
        %dma_wait3A_494 = tpu.memref_slice %arg4[%add3A_485, %dma_wait3A_493] : memref<8256x128xf32, #tpu.memory_space<hbm>> -> memref<8x128xf32, #tpu.memory_space<hbm>>
        %dma_wait3A_495 = arith.constant 0 : i32
        %dma_wait3A_496 = tpu.memref_slice %arg4[%add3A_485, %dma_wait3A_495] : memref<8256x128xf32, #tpu.memory_space<hbm>> -> memref<8x128xf32, #tpu.memory_space<hbm>>
        tpu.wait_dma2 semaphore(%run_scoped3A : memref<!tpu.dma_semaphore, #tpu.memory_space<semaphore_mem>>) src(%arg7 : memref<8x128xf32, #tpu.memory_space<vmem>>) dst(%dma_wait3A_496 : memref<8x128xf32, #tpu.memory_space<hbm>>)
        tpu.yield
      }) : () -> ()
    } else {
    }
    return
  }
}

module attributes {stable_mosaic.version = 14 : i64} {
  func.func @_tc_body(%arg0: i32, %arg1: memref<1x2064x128xf32, #tpu.memory_space<vmem>>, %arg2: memref<384x1024xbf16, #tpu.memory_space<vmem>>, %arg3: memref<2048x1024xf32, #tpu.memory_space<vmem>>, %arg4: memref<1x1024xf32, #tpu.memory_space<vmem>>, %arg5: memref<1x1024xf32, #tpu.memory_space<vmem>>, %arg6: memref<1x2048x1024xf32, #tpu.memory_space<vmem>>, %arg7: memref<2048x1024xf32, #tpu.memory_space<vmem>>) attributes {dimension_semantics = [#tpu.dimension_semantics<arbitrary>], iteration_bounds = array<i64: 4>, scalar_prefetch = 0 : i64, scratch_operands = 1 : i64, tpu.core_type = #tpu.core_type<tc>, window_params = [{transform_indices = @transform_0, window_bounds = array<i64: 1, 2064, 128>}, {pipeline_mode = #tpu.pipeline_mode<synchronous>, transform_indices = @transform_1, window_bounds = array<i64: 384, 1024>}, {pipeline_mode = #tpu.pipeline_mode<synchronous>, transform_indices = @transform_2, window_bounds = array<i64: 2048, 1024>}, {pipeline_mode = #tpu.pipeline_mode<synchronous>, transform_indices = @transform_3, window_bounds = array<i64: 1, 1024>}, {pipeline_mode = #tpu.pipeline_mode<synchronous>, transform_indices = @transform_4, window_bounds = array<i64: 1, 1024>}, {transform_indices = @transform_5, window_bounds = array<i64: 1, 2048, 1024>}]} {
    %eq3A = arith.constant 0 : i32
    %eq3A_0 = arith.cmpi eq, %arg0, %eq3A : i32
    %convert_element_type3A = arith.extui %eq3A_0 : i1 to i32
    %cond3A = arith.constant 0 : i32
    %cond3A_1 = arith.cmpi ne, %convert_element_type3A, %cond3A : i32
    scf.if %cond3A_1 {
      %get3A_31 = arith.constant 0 : index
      %get3A_32 = arith.constant 0 : index
      %get3A_33 = vector.load %arg3[%get3A_31, %get3A_32] : memref<2048x1024xf32, #tpu.memory_space<vmem>>, vector<2048x1024xf32>
      %get3A_34 = arith.constant 0 : index
      %get3A_35 = arith.constant 0 : index
      %get3A_36 = vector.load %arg4[%get3A_34, %get3A_35] : memref<1x1024xf32, #tpu.memory_space<vmem>>, vector<1x1024xf32>
      %mul3A = vector.broadcast %get3A_36 : vector<1x1024xf32> to vector<2048x1024xf32>
      %mul3A_37 = arith.mulf %get3A_33, %mul3A : vector<2048x1024xf32>
      %get3A_38 = arith.constant 0 : index
      %get3A_39 = arith.constant 0 : index
      %get3A_40 = vector.load %arg5[%get3A_38, %get3A_39] : memref<1x1024xf32, #tpu.memory_space<vmem>>, vector<1x1024xf32>
      %add3A_41 = vector.broadcast %get3A_40 : vector<1x1024xf32> to vector<2048x1024xf32>
      %add3A_42 = arith.addf %mul3A_37, %add3A_41 : vector<2048x1024xf32>
      %swap3A_43 = arith.constant 0 : index
      %swap3A_44 = arith.constant 0 : index
      %swap3A_45 = vector.load %arg7[%swap3A_43, %swap3A_44] : memref<2048x1024xf32, #tpu.memory_space<vmem>>, vector<2048x1024xf32>
      tpu.vector_store %arg7[%swap3A_43, %swap3A_44], %add3A_42 {strides = array<i32>} : memref<2048x1024xf32, #tpu.memory_space<vmem>>, vector<2048x1024xf32>,
    } else {
    }
    %get3A = arith.constant 0 : index
    %get3A_2 = arith.constant 8 : index
    %get3A_3 = arith.constant 0 : index
    %get3A_4 = vector.load %arg1[%get3A, %get3A_2, %get3A_3] : memref<1x2064x128xf32, #tpu.memory_space<vmem>>, vector<1x2048x128xf32>
    %get3A_5 = vector.shape_cast %get3A_4 : vector<1x2048x128xf32> to vector<2048x128xf32>
    %convert_element_type3A_6 = arith.truncf %get3A_5 : vector<2048x128xf32> to vector<2048x128xbf16>
    %get3A_7 = arith.constant 0 : index
    %get3A_8 = arith.constant 9 : index
    %get3A_9 = arith.constant 0 : index
    %get3A_10 = vector.load %arg1[%get3A_7, %get3A_8, %get3A_9] : memref<1x2064x128xf32, #tpu.memory_space<vmem>>, vector<1x2048x128xf32>
    %get3A_11 = vector.shape_cast %get3A_10 : vector<1x2048x128xf32> to vector<2048x128xf32>
    %convert_element_type3A_12 = arith.truncf %get3A_11 : vector<2048x128xf32> to vector<2048x128xbf16>
    %get3A_13 = arith.constant 0 : index
    %get3A_14 = arith.constant 7 : index
    %get3A_15 = arith.constant 0 : index
    %get3A_16 = vector.load %arg1[%get3A_13, %get3A_14, %get3A_15] : memref<1x2064x128xf32, #tpu.memory_space<vmem>>, vector<1x2048x128xf32>
    %get3A_17 = vector.shape_cast %get3A_16 : vector<1x2048x128xf32> to vector<2048x128xf32>
    %convert_element_type3A_18 = arith.truncf %get3A_17 : vector<2048x128xf32> to vector<2048x128xbf16>
    %concatenate3A = tpu.concatenate %convert_element_type3A_12, %convert_element_type3A_6, %convert_element_type3A_18 in 1 : vector<2048x128xbf16>, vector<2048x128xbf16>, vector<2048x128xbf16> -> vector<2048x384xbf16>
    %get3A_19 = arith.constant 0 : index
    %get3A_20 = arith.constant 0 : index
    %get3A_21 = vector.load %arg2[%get3A_19, %get3A_20] : memref<384x1024xbf16, #tpu.memory_space<vmem>>, vector<384x1024xbf16>
    %dot_general3A = arith.constant dense<0.000000e+00> : vector<2048x1024xf32>
    %dot_general3A_22 = tpu.matmul %concatenate3A, %get3A_21, %dot_general3A {dimension_numbers = #tpu.dot_dimension_numbers<[1], [0], [0], [1], [0, 0, 1, 1], [], []>, transpose_lhs_hint = false} : vector<2048x384xbf16>, vector<384x1024xbf16>, vector<2048x1024xf32> -> vector<2048x1024xf32>
    %get3A_23 = arith.constant 0 : index
    %get3A_24 = arith.constant 0 : index
    %get3A_25 = vector.load %arg7[%get3A_23, %get3A_24] : memref<2048x1024xf32, #tpu.memory_space<vmem>>, vector<2048x1024xf32>
    %add3A = arith.addf %dot_general3A_22, %get3A_25 : vector<2048x1024xf32>
    %swap3A = arith.constant 0 : index
    %swap3A_26 = arith.constant 0 : index
    %swap3A_27 = arith.constant 0 : index
    %swap3A_28 = vector.load %arg6[%swap3A, %swap3A_26, %swap3A_27] : memref<1x2048x1024xf32, #tpu.memory_space<vmem>>, vector<1x2048x1024xf32>
    %swap3A_29 = vector.shape_cast %swap3A_28 : vector<1x2048x1024xf32> to vector<2048x1024xf32>
    %swap3A_30 = vector.shape_cast %add3A : vector<2048x1024xf32> to vector<1x2048x1024xf32>
    tpu.vector_store %arg6[%swap3A, %swap3A_26, %swap3A_27], %swap3A_30 {strides = array<i32>} : memref<1x2048x1024xf32, #tpu.memory_space<vmem>>, vector<1x2048x1024xf32>,
    return
  }
  func.func @transform_0(%arg0: i32) -> (i32, i32, i32) {
    %c0_i32 = arith.constant 0 : i32
    %c0_i32_0 = arith.constant 0 : i32
    %c0_i32_1 = arith.constant 0 : i32
    return %arg0, %c0_i32, %c0_i32_0 : i32, i32, i32
  }
  func.func @transform_1(%arg0: i32) -> (i32, i32) {
    %c0_i32 = arith.constant 0 : i32
    %c0_i32_0 = arith.constant 0 : i32
    %c0_i32_1 = arith.constant 0 : i32
    return %c0_i32, %c0_i32_0 : i32, i32
  }
  func.func @transform_2(%arg0: i32) -> (i32, i32) {
    %c0_i32 = arith.constant 0 : i32
    %c0_i32_0 = arith.constant 0 : i32
    %c0_i32_1 = arith.constant 0 : i32
    return %c0_i32, %c0_i32_0 : i32, i32
  }
  func.func @transform_3(%arg0: i32) -> (i32, i32) {
    %c0_i32 = arith.constant 0 : i32
    %c0_i32_0 = arith.constant 0 : i32
    %c0_i32_1 = arith.constant 0 : i32
    return %c0_i32, %c0_i32_0 : i32, i32
  }
  func.func @transform_4(%arg0: i32) -> (i32, i32) {
    %c0_i32 = arith.constant 0 : i32
    %c0_i32_0 = arith.constant 0 : i32
    %c0_i32_1 = arith.constant 0 : i32
    return %c0_i32, %c0_i32_0 : i32, i32
  }
  func.func @transform_5(%arg0: i32) -> (i32, i32, i32) {
    %c0_i32 = arith.constant 0 : i32
    %c0_i32_0 = arith.constant 0 : i32
    %c0_i32_1 = arith.constant 0 : i32
    return %arg0, %c0_i32, %c0_i32_0 : i32, i32, i32
  }
}

</mosaic_0001>

<sc_bundles>
// kernel: kernel.4.cloned.1.call-start
scs
__scs_entry_jumppad:
0x0: {  	(pc) =	sbr.rel $0x88, $3  }
0x1: {  	(tag) =	ssettag $0x0;
	lr =	simm.s32 $0x1  }
0x2: {  	[smem:$0x3F99] =	sst lr;
	_ =	strace $0xD0000000  }
0x3: {  	_ = 	snop  }
0x4: {  	_ = 	snop  }
0x5: {  	_ = 	snop  }
0x6: {  	_ = 	snop  }
0x7: {  	_ = 	snop  }
__scs_overlays_trampoline_lowered:
0x8: {  	[smem:$0x3FA8] =	sst s0  }
0x9: {  	[smem:$0x3FA9] =	sst s1  }
0xa: {  	[smem:$0x3FAA] =	sst s2  }
0xb: {  	[smem:$0x3FAB] =	sst s3  }
0xc: {  	[smem:$0x3FAC] =	sst s4  }
0xd: {  	[smem:$0x3FAD] =	sst s5  }
0xe: {  	[smem:$0x3FAE] =	sst s6  }
0xf: {  	[smem:$0x3FAF] =	sst s7  }
0x10: {  	[smem:$0x3FB0] =	sst s8  }
0x11: {  	[smem:$0x3FB1] =	sst s9;
	s0 =	simm.s32 @!p0 $0x0  }
0x12: {  	s1 =	sld [smem:$0x3F97];
	s0 =	simm.s32 @p0 $0x1  }
0x13: {  	[smem:$0x3FB2] =	sst s0;
	s0 =	simm.s32 @!p1 $0x0  }
0x14: {  	s2 =	sld [smem:$0x3F96];
	s0 =	simm.s32 @p1 $0x1  }
0x15: {  	[smem:$0x3FB3] =	sst s0;
	s0 =	simm.s32 @!p2 $0x0  }
0x16: {  	s3 =	sld [smem:$0x3FDB];
	s0 =	simm.s32 @p2 $0x1  }
0x17: {  	s4 =	simm.s32 $0x1BF5;
	[smem:$0x3FB5] =	sst s0  }
0x18: {  	s0 =	sld [smem:$0x3F98];
	_ =	swait.ge [sflag:s4], $0x0  }
0x19: {  	s7 =	sld [smem:$0x3F99]  }
0x1a: {  	s8 =	sadd.s32 $0xFFFFE003, lr  }
0x1b: {  	s9 =	sadd.s32 $0xFFFFFEF7, lr;
	s5 =	simm.s32 $0xFFFFFFFF;
	p2 =	slt.u32 s8, $0xFFFFF086  }
0x1c: {  	p1 =	slt.u32 s9, $0xF7A;
	s5 =	simm.s32 @!p2 $0x0  }
0x1d: {  	s5 =	simm.s32 @p1 $0x1;
	p0 =	seq.s32 s7, s2  }
0x1e: {  	s7 =	smul.u32 @!p0 $0xF7A, s2;
	p2 =	seq.s32 @!p0 s5, $0x0  }
0x1f: {  	s9 =	smul.u32 $0xF7A, s1;
	s8 =	simm.s32 @!p0 $0x1BF5;
	p2 =	por !p2, p0  }
0x20: {  	[sflag:s8] =	ssyncset.s32 @!p0 $0xFFFFF086;
	s6 =	sadd.s32 @!p0 s3, s7;
	s7 =	simm.s32 @!p0 $0x108  }
0x21: {  	s3 =	sadd.s32 s3, s9;
	s6 =	sadd.s32 @!p0 $0x88, s6;
	s7 =	simm.s32 @p2 $0x1082  }
0x22: {  	[simem:s7], [sflag:s8] =	dma.local @!p0 [hbm:s6], $0xF7A  }
0x23: {  	s9 =	sor.u32 $0xD0000000, s2;
	s6 =	simm.s32 $0x108;
	_ =	swait.ge @!p0 [sflag:s8], $0x0  }
0x24: {  	s3 =	sadd.s32 $0x88, s3;
	s6 =	simm.s32 @!p1 $0x1082;
	[sflag:s4] =	ssyncset.s32 $0xFFFFF086  }
0x25: {  	[simem:s6], [sflag:s4] =	dma.local [hbm:s3], $0xF7A  }
0x26: {  	[smem:$0x3F99] =	sst s1;
	(tag) =	ssettag s2;
	_ =	strace s9  }
0x27: {  	s1 =	sld [smem:$0x3FA9]  }
0x28: {  	s2 =	sld [smem:$0x3FAA]  }
0x29: {  	s4 =	sld [smem:$0x3FAC]  }
0x2a: {  	p0 =	seq.s32 s5, $0x0;
	s5 =	sld [smem:$0x3FAD]  }
0x2b: {  	s6 =	sld [smem:$0x3FAE]  }
0x2c: {  	s7 =	sld [smem:$0x3FAF]  }
0x2d: {  	s3 =	simm.s32 $0x108;
	s8 =	sld [smem:$0x3FB0]  }
0x2e: {  	s3 =	simm.s32 @!p0 $0x1082;
	s9 =	sld [smem:$0x3FB1]  }
0x2f: {  	lr =	sadd.s32 s0, s3;
	s0 =	sld [smem:$0x3FA8]  }
0x30: {  	s3 =	sld [smem:$0x3FAB]  }
0x31: {  	[smem:$0x3FB4] =	sst s10  }
0x32: {  	s10 =	sld [smem:$0x3FB2];
	_ =	sdelay $0x3  }
0x33: {  	p0 =	seq.s32 s10, $0x1;
	s10 =	sld [smem:$0x3FB4];
	_ =	sdelay $0x3  }
0x34: {  	[smem:$0x3FB4] =	sst s10  }
0x35: {  	s10 =	sld [smem:$0x3FB3];
	_ =	sdelay $0x3  }
0x36: {  	p1 =	seq.s32 s10, $0x1;
	s10 =	sld [smem:$0x3FB4];
	_ =	sdelay $0x3  }
0x37: {  	[smem:$0x3FB4] =	sst s10  }
0x38: {  	s10 =	sld [smem:$0x3FB5]  }
0x39: {  	_ = 	snop;
	(pc) =	sbr.ind lr, $3  }
0x3a: {  	_ = 	snop  }
0x3b: {  	_ = 	snop  }
0x3c: {  	p2 =	seq.s32 s10, $0x1;
	s10 =	sld [smem:$0x3FB4]  }
0x3d: {  	_ =	shalt  }
0x3e: {  	_ =	shalt  }
0x3f: {  	_ =	shalt  }
0x40: {  	_ =	shalt  }
0x41: {  	_ =	shalt  }
0x42: {  	_ =	shalt  }
0x43: {  	_ =	shalt  }
0x44: {  	_ =	shalt  }
0x45: {  	_ =	shalt  }
0x46: {  	_ =	shalt  }
0x47: {  	_ =	shalt  }
0x48: {  	_ =	shalt  }
0x49: {  	_ =	shalt  }
0x4a: {  	_ =	shalt  }
0x4b: {  	_ =	shalt  }
0x4c: {  	_ =	shalt  }
0x4d: {  	_ =	shalt  }
0x4e: {  	_ =	shalt  }
0x4f: {  	_ =	shalt  }
0x50: {  	_ =	shalt  }
0x51: {  	_ =	shalt  }
0x52: {  	_ =	shalt  }
0x53: {  	_ =	shalt  }
0x54: {  	_ =	shalt  }
0x55: {  	_ =	shalt  }
0x56: {  	_ =	shalt  }
0x57: {  	_ =	shalt  }
0x58: {  	_ =	shalt  }
0x59: {  	_ =	shalt  }
0x5a: {  	_ =	shalt  }
0x5b: {  	_ =	shalt  }
0x5c: {  	_ =	shalt  }
0x5d: {  	_ =	shalt  }
0x5e: {  	_ =	shalt  }
0x5f: {  	_ =	shalt  }
0x60: {  	_ =	shalt  }
0x61: {  	_ =	shalt  }
0x62: {  	_ =	shalt  }
0x63: {  	_ =	shalt  }
0x64: {  	_ =	shalt  }
0x65: {  	_ =	shalt  }
0x66: {  	_ =	shalt  }
0x67: {  	_ =	shalt  }
0x68: {  	_ =	shalt  }
0x69: {  	_ =	shalt  }
0x6a: {  	_ =	shalt  }
0x6b: {  	_ =	shalt  }
0x6c: {  	_ =	shalt  }
0x6d: {  	_ =	shalt  }
0x6e: {  	_ =	shalt  }
0x6f: {  	_ =	shalt  }
0x70: {  	_ =	shalt  }
0x71: {  	_ =	shalt  }
0x72: {  	_ =	shalt  }
0x73: {  	_ =	shalt  }
0x74: {  	_ =	shalt  }
0x75: {  	_ =	shalt  }
0x76: {  	_ =	shalt  }
0x77: {  	_ =	shalt  }
0x78: {  	_ =	shalt  }
0x79: {  	_ =	shalt  }
0x7a: {  	_ =	shalt  }
0x7b: {  	_ =	shalt  }
0x7c: {  	_ =	shalt  }
0x7d: {  	_ =	shalt  }
0x7e: {  	_ =	shalt  }
0x7f: {  	_ =	shalt  }
0x80: {  	_ =	shalt  }
0x81: {  	_ =	shalt  }
0x82: {  	_ =	shalt  }
0x83: {  	_ =	shalt  }
0x84: {  	_ =	shalt  }
0x85: {  	_ =	shalt  }
0x86: {  	_ =	shalt  }
0x87: {  	_ =	shalt  }
.Lfunc_end0:
.L_simem_size_0:
called_computation_lowered:
.L_overlay_start_0:
0x88: {  	s2 =	sld [smem:$0x3FD9]  }
0x89: {  	s3 =	sld [smem:$0x3FFE];
	_ =	sdelay $0x1  }
0x8a: {  	s1 =	srdreg.scid  }
0x8b: {  	s0 =	sand.u32 $0x1, s1  }
0x8c: {  	s17 =	sshll.u32 s0, $0xA;
	s2 =	sadd.s32 s3, s2  }
0x8d: {  	s2 =	sadd.s32 s2, s17  }
0x8e: {  	[smem:$0x3FC0] =	sst s2  }
0x8f: {  	_ = 	snop  }
0x90: {  	s2 =	sld [smem:$0x3FC8]  }
0x91: {  	s18 =	sld [smem:$0x3FD0];
	(tm) =	ssettm $0x1  }
0x92: {  	s4 =	sld [smem:$0x3FFB];
	_ =	sdelay $0x3  }
0x93: {  	_ =	strace s4  }
0x94: {  	s4 =	sld [smem:$0x3FFC];
	_ =	sdelay $0x3  }
0x95: {  	_ =	strace s4  }
0x96: {  	s4 =	sld [smem:$0x3FFD];
	_ =	sdelay $0x3  }
0x97: {  	_ =	strace s4  }
0x98: {  	_ =	strace $0x8FFFFFFF  }
0x99: {  	s19 =	sld [smem:$0x3FDB];
	_ =	sdelay $0x1  }
0x9a: {  	s5 =	simm.s32 $_scs_section_size  }
0x9b: {  	s6 =	simm.s32 $_size__tile_overlayer_lowered;
	s7 =	simm.s32 $_tile_overlayer_lowered  }
0x9c: {  	s22 =	simm.s32 $0x1BFF;
	s21 =	sshll.u32 s7, $0x1;
	s4 =	sadd.s32 s5, s19  }
0x9d: {  	s8 =	simm.s32 $0x0;
	s20 =	sshll.u32 s6, $0x1;
	s6 =	sadd.s32 s21, s4  }
0x9e: {  	[timem:s8], [sflag:s22] =	dma.local [hbm:s6], s20  }
0x9f: {  	_ =	swait.ge [sflag:s22], s20  }
0xa0: {  	s5 =	ssub.s32 $0x0, s20;
	[sflag:s22] =	ssyncset.done $0x0  }
0xa1: {  	[sflag:s22] =	ssyncadd.s32 s5;
	_ =	sdelay $0x1  }
0xa2: {  	s23 =	simm.s32 $0x1B8B  }
0xa3: {  	_ =	swait.ge [sflag:s23], $0x1  }
0xa4: {  	[sflag:s23] =	ssyncset.done $0x0  }
0xa5: {  	s25 =	simm.s32 $0x1B8E;
	s24 =	sld [smem:$0x3FFE];
	[sflag:s23] =	ssyncadd.s32 $0xFFFFFFFF  }
0xa6: {  	s26 =	simm.s32 $execute0_lowered;
	[smem:$0x3FD2] =	sst s25  }
0xa7: {  	s6 =	sshll.u32 s26, $0x1;
	_ =	strace $0x80000046;
	[dreg:$0x1] =	wrdreg $0xFFFFFFFF  }
0xa8: {  	s28 =	simm.s32 $_size_execute0_lowered;
	s4 =	sadd.s32 s4, s6;
	[dreg:$0x0] =	wrdreg $0x0  }
0xa9: {  	s6 =	sshll.u32 s28, $0x1;
	[dreg:$0x2] =	wrdreg s4  }
0xaa: {  	[dreg:$0x3] =	wrdreg s6  }
0xab: {  	[dreg:$0x4] =	wrdreg $0xC0  }
0xac: {  	_ =	task [dreg:s8], $0x5FFFF  }
0xad: {  	[dreg:$0x1] =	wrdreg $0xFFFFFFFF  }
0xae: {  	[dreg:$0x0] =	wrdreg $0x60  }
0xaf: {  	[dreg:$0x2] =	wrdreg s24  }
0xb0: {  	[dreg:$0x3] =	wrdreg s2  }
0xb1: {  	[dreg:$0x4] =	wrdreg s18  }
0xb2: {  	[dreg:$0x5] =	wrdreg $0x9  }
0xb3: {  	_ =	task.clear_ibuf [dreg:s8], $0x6FFFF;
	_ =	strace $0x90000046  }
0xb4: {  	s29 =	simm.s32 $0x9;
	_ =	strace $0x80000048  }
0xb5: {  	_ =	swait.ge [sflag:s29], $0x1  }
0xb6: {  	[sflag:s29] =	ssyncadd.s32 $0xFFFFFFFF  }
0xb7: {  	_ =	strace $0x90000048  }
0xb8: {  	_ =	sfence  }
0xb9: {  	s30 =	sld [smem:$0x0];
	_ =	sdelay $0x2  }
0xba: {  	s31 =	sshll.u32 s1, $0xD;
	s1 =	sshrl.u32 s1, $0x2  }
0xbb: {  	s3 =	sand.u32 $0x4000, s31;
	s1 =	sadd.s32 s1, s30  }
0xbc: {  	s0 =	sor.u32 s3, s0;
	s1 =	sshll.u32 s1, $0x11  }
0xbd: {  	s0 =	sor.u32 s1, s0  }
0xbe: {  	s0 =	sadd.s32 $0x8F2B, s0  }
0xbf: {  	[sflag:s0] =	ssyncadd.remote.s32 $0x1  }
0xc0: {  	_ =	sfence.sel $0xFFFF  }
0xc1: {  	[dreg:$0x0] =	wrdreg $0xFFFFFFFF;
	(pc) =	sbr.abs _section_cstart, $3  }
0xc2: {  	[dreg:$0x1] =	wrdreg $0xFFFFFFFF  }
0xc3: {  	_ =	task.clear_ibuf [dreg:s8], $0x2FFFF;
	_ =	strace $0x9FFFFFFF  }
0xc4: {  	(tm) =	ssettm $0x7FFFFFFF  }
0xc5: {  	_ =	shalt  }
tec
execute0_lowered:
.L_overlay_start_1:
0x0: {  	(tag) =	ssettag $0x1  }
0x1: {  	s4 =	rddreg [dreg:$0x0]  }
0x2: {  	s1 =	rddreg [dreg:$0x1]  }
0x3: {  	s8 =	rddreg [dreg:$0x2];
	s2 =	srdreg.scid  }
0x4: {  	s0 =	rddreg [dreg:$0x3];
	s3 =	simm.s32 $0x0;
	s14 =	simm.s32 $0x2  }
0x5: {  	s5 =	sand.u32 $0x1, s2;
	[smem:$0x7FF] =	sst s3;
	s2 =	stileid.u32  }
0x6: {  	s6 =	sshll.u32 s5, $0x4;
	_ =	strace $0x80000047;
	s21 =	sand.u32 $0x7, s2  }
0x7: {  	s23 =	ssub.s32 $0x2, s5;
	s11 =	sand.u32 $0x1, s2;
	s26 =	sshrl.u32 s2, $0x1  }
0x8: {  	s10 =	sor.u32 s2, s6;
	p0 =	sne.s32 s21, $0x0;
	s5 =	sshrl.u32 s23, $0x1  }
0x9: {  	s7 =	sshll.u32 s10, $0x5;
	p1 =	seq.s32 s10, $0x0;
	s9 =	sshrl.u32 s10, $0x3  }
0xa: {  	s12 =	ssub.s32 s23, s5;
	s25 =	sshll.u32 s10, $0x8;
	p0 =	por !p0, !p1  }
0xb: {  	s22 =	sadd.s32 s7, s4;
	s7 =	simm.s32 $0x1;
	p0 =	por !p0, !p0  }
0xc: {  	s7 =	simm.s32 @!p0 $0x0;
	p0 =	seq.s32 s11, $0x1;
	s11 =	simm.s32 $0x808  }
0xd: {  	s24 =	ssub.s32 s9, s7;
	p1 =	por !p1, !p0;
	s9 =	simm.s32 $0x1  }
0xe: {  	s7 =	smul.u32 $0x810, s24;
	s4 =	sshll.u32 s24, $0xB;
	p1 =	por !p1, !p1  }
0xf: {  	s11 =	simm.s32 @!p0 $0x0;
	s5 =	ssub.s32 s25, s4;
	s9 =	simm.s32 @!p1 $0x0  }
0x10: {  	p0 =	sgt.u32 s10, $0x7;
	s5 =	sadd.s32 s7, s5;
	s28 =	ssub.s32 s26, s9  }
0x11: {  	s10 =	simm.s32 $0x3;
	s29 =	sor.u32 $0x8, s5;
	s7 =	smul.u32 $0x810, s28  }
0x12: {  	s4 =	simm.s32 $0x1;
	s5 =	sadd.s32 $0x1A00, s22;
	s30 =	sshll.u32 s29, $0x7  }
0x13: {  	s9 =	sshll.u32 s29, $0x4;
	s13 =	sadd.s32 $0x4000, s30;
	s7 =	sadd.s32 s11, s7  }
0x14: {  	s6 =	sadd.s32 s8, s9;
	s9 =	smax.u32 s12, $0x1;
	s12 =	simm.s32 $0x100  }
0x15: {  	s31 =	sshrl.u32 s13, $0x3;
	s11 =	sshll.u32 s7, $0x4;
	s13 =	simm.s32 $0x4100  }
0x16: {  	v0 =	vimm.f32 $0.0e+00;
	s7 =	sadd.s32 s8, s31;
	s8 =	sadd.s32 s8, s11;
	s11 =	simm.s32 $0x80  }
.LBB2_1:
0x17: {  	[tilespmem:s3], [sflag:$0x3] =	stream.linear.gather [hbm4b:s5+s3], $0x100, $0x38;
	[tilespmem:$0x8500] =	vst v63  }
0x18: {  	_ =	swait.ge [sflag:s10], $0x100  }
0x19: {  	[sflag:s10] =	ssyncset.done $0x0  }
0x1a: {  	[sflag:s10] =	ssyncadd.s32 $0xFFFFFF00  }
0x1b: {  	[tilespmem:s12], [sflag:$0x1] =	stream.indirect.gather [hbm4b:s1+s11], $0x80, s3, s11, $0xb8;
	[tilespmem:$0x8500] =	vst v63  }
0x1c: {  	_ = 	snop  }
0x1d: {  	[tilespmem:s13], [sflag:$0x2] =	stream.indirect.gather [hbm4b:s1+s11], $0x80, s11, s11, $0xb8;
	[tilespmem:$0x8500] =	vst v63  }
0x1e: {  	_ =	swait.ge [sflag:s4], $0x4000  }
0x1f: {  	[sflag:s4] =	ssyncset.done $0x0  }
0x20: {  	[sflag:s4] =	ssyncadd.s32 $0xFFFFC000  }
0x21: {  	[hbm4b:s6+s3] =	stream.linear.scatter [tilespmem:s12], [sflag:$0x3], $0x4000, $0x38;
	[tilespmem:$0x8500] =	vst v63  }
0x22: {  	_ =	swait.ge [sflag:s10], $0x4000  }
0x23: {  	[sflag:s10] =	ssyncset.done $0x0  }
0x24: {  	[sflag:s10] =	ssyncadd.s32 $0xFFFFC000  }
0x25: {  	_ =	swait.ge [sflag:s14], $0x4000  }
0x26: {  	[sflag:s14] =	ssyncset.done $0x0  }
0x27: {  	[sflag:s14] =	ssyncadd.s32 $0xFFFFC000  }
0x28: {  	[hbm4b:s7+s3] =	stream.linear.scatter [tilespmem:s13], [sflag:$0x3], $0x4000, $0x38;
	[tilespmem:$0x8500] =	vst v63  }
0x29: {  	_ =	swait.ge [sflag:s10], $0x4000  }
0x2a: {  	[sflag:s10] =	ssyncset.done $0x0  }
0x2b: {  	[sflag:s10] =	ssyncadd.s32 $0xFFFFC000  }
0x2c: {  	[tilespmem:$0x8100] =	vst v0  }
0x2d: {  	[tilespmem:$0x8110] =	vst v0  }
0x2e: {  	[tilespmem:$0x8120] =	vst v0  }
0x2f: {  	[tilespmem:$0x8130] =	vst v0  }
0x30: {  	[tilespmem:$0x8140] =	vst v0  }
0x31: {  	[tilespmem:$0x8150] =	vst v0  }
0x32: {  	[tilespmem:$0x8160] =	vst v0  }
0x33: {  	[tilespmem:$0x8170] =	vst v0  }
0x34: {  	[tilespmem:$0x8180] =	vst v0  }
0x35: {  	[tilespmem:$0x8190] =	vst v0  }
0x36: {  	[tilespmem:$0x81A0] =	vst v0  }
0x37: {  	[tilespmem:$0x81B0] =	vst v0  }
0x38: {  	[tilespmem:$0x81C0] =	vst v0  }
0x39: {  	[tilespmem:$0x81D0] =	vst v0  }
0x3a: {  	[tilespmem:$0x81E0] =	vst v0  }
0x3b: {  	[tilespmem:$0x81F0] =	vst v0  }
0x3c: {  	[tilespmem:$0x8200] =	vst v0  }
0x3d: {  	[tilespmem:$0x8210] =	vst v0  }
0x3e: {  	[tilespmem:$0x8220] =	vst v0  }
0x3f: {  	[tilespmem:$0x8230] =	vst v0  }
0x40: {  	[tilespmem:$0x8240] =	vst v0  }
0x41: {  	[tilespmem:$0x8250] =	vst v0  }
0x42: {  	[tilespmem:$0x8260] =	vst v0  }
0x43: {  	[tilespmem:$0x8270] =	vst v0  }
0x44: {  	[tilespmem:$0x8280] =	vst v0  }
0x45: {  	[tilespmem:$0x8290] =	vst v0  }
0x46: {  	[tilespmem:$0x82A0] =	vst v0  }
0x47: {  	[tilespmem:$0x82B0] =	vst v0  }
0x48: {  	[tilespmem:$0x82C0] =	vst v0  }
0x49: {  	[tilespmem:$0x82D0] =	vst v0  }
0x4a: {  	[tilespmem:$0x82E0] =	vst v0  }
0x4b: {  	[tilespmem:$0x82F0] =	vst v0  }
0x4c: {  	[tilespmem:$0x8300] =	vst v0  }
0x4d: {  	[tilespmem:$0x8310] =	vst v0  }
0x4e: {  	[tilespmem:$0x8320] =	vst v0  }
0x4f: {  	[tilespmem:$0x8330] =	vst v0  }
0x50: {  	[tilespmem:$0x8340] =	vst v0  }
0x51: {  	[tilespmem:$0x8350] =	vst v0  }
0x52: {  	[tilespmem:$0x8360] =	vst v0  }
0x53: {  	[tilespmem:$0x8370] =	vst v0  }
0x54: {  	[tilespmem:$0x8380] =	vst v0  }
0x55: {  	[tilespmem:$0x8390] =	vst v0  }
0x56: {  	[tilespmem:$0x83A0] =	vst v0  }
0x57: {  	[tilespmem:$0x83B0] =	vst v0  }
0x58: {  	[tilespmem:$0x83C0] =	vst v0  }
0x59: {  	[tilespmem:$0x83D0] =	vst v0  }
0x5a: {  	[tilespmem:$0x83E0] =	vst v0  }
0x5b: {  	[tilespmem:$0x83F0] =	vst v0  }
0x5c: {  	[tilespmem:$0x8400] =	vst v0  }
0x5d: {  	[tilespmem:$0x8410] =	vst v0  }
0x5e: {  	[tilespmem:$0x8420] =	vst v0  }
0x5f: {  	[tilespmem:$0x8430] =	vst v0  }
0x60: {  	[tilespmem:$0x8440] =	vst v0  }
0x61: {  	[tilespmem:$0x8450] =	vst v0  }
0x62: {  	[tilespmem:$0x8460] =	vst v0  }
0x63: {  	[tilespmem:$0x8470] =	vst v0  }
0x64: {  	[tilespmem:$0x8480] =	vst v0  }
0x65: {  	[tilespmem:$0x8490] =	vst v0  }
0x66: {  	[tilespmem:$0x84A0] =	vst v0  }
0x67: {  	[tilespmem:$0x84B0] =	vst v0  }
0x68: {  	[tilespmem:$0x84C0] =	vst v0  }
0x69: {  	[tilespmem:$0x84D0] =	vst v0  }
0x6a: {  	s9 =	sadd.s32 $0xFFFFFFFF, s9;
	[tilespmem:$0x84E0] =	vst v0  }
0x6b: {  	s15 =	simm.s32 @!p0 $0x0;
	s16 =	simm.s32 @!p0 $0x8100;
	p1 =	sne.s32 s9, $0x0;
	[tilespmem:$0x84F0] =	vst v0  }
0x6c: {  	[hbm4b:s8+s15] =	stream.linear.scatter @!p0 [tilespmem:s16], [sflag:$0x3], $0x400, $0x38;
	[tilespmem:$0x8500] =	vst v63  }
.Ltmp0:
0x6d: {  	_ = 	snop;
	(pc) =	sbr.rel @p1 .LBB2_1-.Ltmp0, $4  }
0x6e: {  	s15 =	simm.s32 @!p0 $0x3  }
0x6f: {  	_ =	swait.ge @!p0 [sflag:s15], $0x400  }
0x70: {  	[sflag:s15] =	ssyncset.done @!p0 $0x0  }
0x71: {  	[sflag:s15] =	ssyncadd.s32 @!p0 $0xFFFFFC00  }
0x72: {  	_ =	sfence.sel $0x180000  }
0x73: {  	[bflag:$0x0] =	sbarrier.arrive $0xFFFF  }
0x74: {  	p0 =	sne.s32 s2, $0x0;
	_ =	strace $0x90000047  }
0x75: {  	s0 =	sadd.s32 @!p0 $0x100000, s0;
	[bflag:$0x2] =	sbarrier.arrive $0xFFFF  }
0x76: {  	[sflag:s0] =	ssyncadd.tile.s32 @!p0 $0x1;
	_ =	shalt  }
.Lfunc_end2:
_tile_overlayer_lowered:
.L_overlay_start_2:
0x77: {  	(tag) =	ssettag $0x2  }
0x78: {  	s0 =	rddreg [dreg:$0x0];
	s2 =	stileid.u32  }
0x79: {  	s1 =	rddreg [dreg:$0x1];
	p0 =	sne.s32 s2, $0x0  }
0x7a: {  	s3 =	rddreg [dreg:$0x2];
	[bflag:$0x3] =	sbarrier.arrive $0xFFFF;
	s2 =	simm.s32 @!p0 $0x1C03  }
0x7b: {  	[timem:s3], [sflag:s2] =	dma.local @!p0 [hbm:s0], s1  }
0x7c: {  	s0 =	simm.s32 @!p0 $0x3  }
0x7d: {  	_ =	swait.ge @!p0 [sflag:s0], s1  }
0x7e: {  	s1 =	ssub.s32 @!p0 $0x0, s1;
	[sflag:s0] =	ssyncset.done @!p0 $0x0  }
0x7f: {  	[sflag:s0] =	ssyncadd.s32 @!p0 s1  }
0x80: {  	[bflag:$0x3] =	sbarrier.arrive $0xFFFF  }
0x81: {  	_ =	shalt  }

</sc_bundles>
